<compile_context>
chip_gen: v7x
topology: tpu7x:2x2x1
jax: 0.10.2.dev20260603
libtpu: 0.0.44.dev20260713+nightly
codegen_flags: <defaults>
</compile_context>

<pallas_src>
import functools

import jax
import jax.numpy as jnp
from jax import lax
from jax.experimental import pallas as pl
from jax.experimental.pallas import tpu as pltpu
from jax.experimental.pallas import tpu_sc as plsc

_M = 256
_S = 16
_L = 8
_V = 1024
_N = _M * _S
_DLIT = 64
_DHID = 256
_NC = 2
_NS = 16
_NW = _NC * _NS
_NPW = _N // _NW
_SLOTS = _S * _L
_TROWS = _V + 1
_TW = _DLIT // 2
_TSTRIDE = _TW + 1


def _sc_bagsum_body(table_hbm, form_hbm, nlit_hbm, out_hbm,
                    table_v, ids_v, nlit_v, stage_v):
    wid = lax.axis_index("s") * _NC + lax.axis_index("c")
    pltpu.sync_copy(table_hbm, table_v)
    pltpu.sync_copy(form_hbm.at[wid], ids_v)
    pltpu.sync_copy(nlit_hbm.at[wid], nlit_v)
    cols = lax.iota(jnp.int32, 16)
    lsub = jnp.bitwise_and(cols, 7)
    lo8 = cols < 8
    zero16 = jnp.zeros((16,), jnp.float32)
    zbf = jnp.zeros((32,), jnp.bfloat16)
    padid = jnp.full((16,), _V, jnp.int32)

    def n_body(n, _):
        nlit16 = nlit_v[n, :]

        def sb_body(sb, faccs):
            raw16 = ids_v[n, pl.ds(sb * 16, 16)]
            t0 = nlit16.at[jnp.full((16,), 2 * sb, jnp.int32)].get(
                mode="promise_in_bounds")
            t1 = nlit16.at[jnp.full((16,), 2 * sb + 1, jnp.int32)].get(
                mode="promise_in_bounds")
            thr = jnp.where(lo8, t0, t1)
            ids16 = jnp.where(lsub < thr, raw16, padid)
            p0, p1 = zbf, zbf
            for j in range(16):
                idj = ids16.at[jnp.full((16,), j, jnp.int32)].get(
                    mode="promise_in_bounds")
                base = idj * _TSTRIDE + cols
                g0 = plsc.load_gather(table_v, [base])
                g1 = plsc.load_gather(table_v, [base + 16])
                p0 = p0 + plsc.bitcast(g0, jnp.bfloat16)
                p1 = p1 + plsc.bitcast(g1, jnp.bfloat16)
            a0, b0 = plsc.unpack(p0, format=plsc.PackFormat.INTERLEAVED)
            a1, b1 = plsc.unpack(p1, format=plsc.PackFormat.INTERLEAVED)
            return (faccs[0] + a0, faccs[1] + b0, faccs[2] + a1, faccs[3] + b1)

        faccs = lax.fori_loop(0, _SLOTS // 16, sb_body, (zero16,) * 4)
        for k in range(4):
            off = (k // 2) * 32 + (k % 2)
            plsc.store_scatter(stage_v, [n * _DLIT + off + 2 * cols], faccs[k])
        return 0

    lax.fori_loop(0, _NPW, n_body, 0)
    pltpu.sync_copy(stage_v, out_hbm.at[pl.ds(wid * _NPW * _DLIT, _NPW * _DLIT)])


def _tc_body(calls_ref, bnode_ref, idx_ref, we_ref, ws0_ref, wm0_ref, ws1_ref,
             wm1_ref, out_ref):
    f32 = jnp.float32
    A3 = (calls_ref[...] > -1).astype(f32)
    deg2 = jnp.sum(A3, axis=2)
    col2 = jnp.sum(A3, axis=1)
    invdeg3 = (1.0 / jnp.maximum(deg2, 1.0))[..., None]

    node_sum = jnp.dot(bnode_ref[...], we_ref[...], preferred_element_type=f32)
    nodes3 = node_sum.reshape(_M, _S, 128) * invdeg3
    nodes = nodes3.reshape(_N, 128)

    def abmm(h3, d):
        acc = lax.dot_general(A3, h3, (((2,), (1,)), ((0,), (0,))),
                              preferred_element_type=f32)
        return (acc * invdeg3).reshape(_N, d)

    wm0 = wm0_ref[...]
    w0 = ws0_ref[...] + wm0[128:]
    h1 = jnp.maximum(
        jnp.dot(nodes, w0, preferred_element_type=f32)
        + jnp.dot(abmm(nodes3, 128), wm0[:128], preferred_element_type=f32),
        0.0)
    wm1 = wm1_ref[...]
    pre = (jnp.dot(h1, ws1_ref[...], preferred_element_type=f32)
           + jnp.dot(nodes, wm1[256:], preferred_element_type=f32)
           + jnp.dot(abmm(h1.reshape(_M, _S, _DHID), _DHID), wm1[:256],
                     preferred_element_type=f32))
    out = jnp.maximum(pre, 0.0)
    mask3 = ((deg2 + col2) > 0.0).astype(f32)[..., None]
    msum = jnp.sum(jnp.sum(out.reshape(_M, _S, _DHID) * mask3, axis=1),
                   axis=0, keepdims=True)
    graph = msum / jnp.sum(mask3)
    b = idx_ref.shape[0]
    onehot = (idx_ref[...] ==
              lax.broadcasted_iota(jnp.int32, (b, _N), 1)).astype(f32)
    sel = jnp.dot(onehot, out, preferred_element_type=f32)
    out_ref[:, pl.ds(0, _DHID)] = jnp.broadcast_to(graph, (b, _DHID))
    out_ref[:, pl.ds(_DHID, _DHID)] = sel


def kernel(formulas, calls, num_literals, rm_id, state_id, lit_table,
           W_edge, W_self0, W_msg0, W_self1, W_msg1):
    calls3 = calls[..., 0]
    nlit_eff = jnp.where(calls3 > -1,
                         jnp.maximum(num_literals[..., 0], 1),
                         0).astype(jnp.int32).reshape(_NW, _NPW, _S)
    form_r = formulas.reshape(_NW, _NPW, _SLOTS).astype(jnp.int32)
    table_pk = jax.lax.bitcast_convert_type(
        lit_table.astype(jnp.bfloat16).reshape(_V, _TW, 2), jnp.int32)
    table_pad = jnp.pad(table_pk, ((0, 1), (0, 1))).reshape(-1)

    mesh = plsc.VectorSubcoreMesh(core_axis_name="c", subcore_axis_name="s",
                                  num_cores=_NC)

    bagsum = functools.partial(
        pl.kernel, mesh=mesh,
        compiler_params=pltpu.CompilerParams(needs_layout_passes=False),
        out_type=jax.ShapeDtypeStruct((_N * _DLIT,), jnp.float32),
        scratch_types=[
            pltpu.VMEM((_TROWS * _TSTRIDE,), jnp.int32),
            pltpu.VMEM((_NPW, _SLOTS), jnp.int32),
            pltpu.VMEM((_NPW, _S), jnp.int32),
            pltpu.VMEM((_NPW * _DLIT,), jnp.float32),
        ],
    )(_sc_bagsum_body)
    bnode = bagsum(table_pad, form_r, nlit_eff).reshape(_N, _DLIT)

    idx_b = (rm_id * _S + state_id).astype(jnp.int32)
    B = idx_b.shape[0]
    return pl.pallas_call(
        _tc_body,
        out_shape=jax.ShapeDtypeStruct((B, 2 * _DHID), jnp.float32),
    )(calls3, bnode, idx_b[:, None], W_edge, W_self0, W_msg0, W_self1, W_msg1)

# --- scband reference (transcript-rebuilt; emitter-appended) ---
"""Pipeline reference for scband-rgcnhrmembedder-31001073943193 (READ-ONLY COPY).

The authoritative reference and input builder live on the scoring server;
editing this copy changes nothing except your own understanding.
"""

import jax, jax.numpy as jnp
import numpy as np

M = 256   # max_num_machines
S = 16    # max_num_states_per_machine
L = 8     # max_num_literals
V = 1024  # literal vocab
D_LIT = 64
D_EDGE = 128
D_HID = 256
B = 1024
N = M * S
E = M * S * S


def setup_inputs(seed: int = 0):
    key = jax.random.key(seed)
    ks = jax.random.split(key, 12)
    formulas = jax.random.randint(ks[0], (M, S, S, 1, L), 0, V)
    calls = jax.random.randint(ks[1], (M, S, S, 1), -1, M)
    num_literals = jax.random.randint(ks[2], (M, S, S, 1), 0, L + 1)
    rm_id = jax.random.randint(ks[3], (B,), 0, M)
    state_id = jax.random.randint(ks[4], (B,), 0, S)
    lit_table = jax.random.normal(ks[5], (V, D_LIT), dtype=jnp.float32) * 0.02
    W_edge = jax.random.normal(ks[6], (D_LIT, D_EDGE), dtype=jnp.float32) * 0.05
    W_self0 = jax.random.normal(ks[7], (D_EDGE, D_HID), dtype=jnp.float32) * 0.05
    W_msg0 = jax.random.normal(ks[8], (D_EDGE + D_EDGE, D_HID), dtype=jnp.float32) * 0.05
    W_self1 = jax.random.normal(ks[9], (D_HID, D_HID), dtype=jnp.float32) * 0.05
    W_msg1 = jax.random.normal(ks[10], (D_HID + D_EDGE, D_HID), dtype=jnp.float32) * 0.05
    return {"formulas": formulas, "calls": calls, "num_literals": num_literals,
            "rm_id": rm_id, "state_id": state_id, "lit_table": lit_table,
            "W_edge": W_edge, "W_self0": W_self0, "W_msg0": W_msg0,
            "W_self1": W_self1, "W_msg1": W_msg1}


def reference(formulas, calls, num_literals, rm_id, state_id,
              lit_table, W_edge, W_self0, W_msg0, W_self1, W_msg1):
    # ---- _get_adjacency_matrix (use_interrelations=False -> 1 relation) ----
    base_src = jnp.repeat(jnp.arange(N), S)
    base_dst = jnp.tile(jnp.arange(S), N) + jnp.repeat(S * jnp.arange(M), S * S)
    calls_flat = calls.ravel()
    valid = calls_flat > -1
    src0 = valid * base_src - jnp.logical_not(valid)
    dst0 = valid * base_dst - jnp.logical_not(valid)
    s0 = dst0   # senders[0]
    r0 = src0   # receivers[0]
    # ---- _get_formula_edge_features ----
    idx_m = r0 // S
    idx_rs = r0 % S
    idx_ss = s0 % S
    form = formulas[idx_m, idx_rs, idx_ss, 0]            # [E, L]
    call_mask = calls[idx_m, idx_rs, idx_ss, 0] > -1     # [E]
    nlit = jnp.maximum(num_literals[idx_m, idx_rs, idx_ss, 0], 1) * call_mask
    emb = lit_table[form]                                # [E, L, D_LIT] embedding lookup
    lit_mask = jnp.arange(L)[None, :] < nlit[:, None]
    edge_features = jnp.sum(lit_mask[..., None] * emb, axis=1) @ W_edge  # [E, D_EDGE]
    # ---- _get_init_node_features (node_init='edge_features') ----
    node_sum = jax.ops.segment_sum(edge_features, r0, N)
    deg = jax.ops.segment_sum(jnp.ones_like(r0, dtype=jnp.float32), r0, N)
    nodes = node_sum * jax.lax.reciprocal(jnp.maximum(deg, 1.0))[:, None]
    # ---- RGCN (2 layers: gather sender feats, edge-conditioned message, segment-sum) ----
    def rgcn_layer(h, W_self, W_msg):
        m = jnp.concatenate([h[s0], edge_features], axis=-1) @ W_msg   # [E, D_HID]
        agg = jax.ops.segment_sum(m, r0, N)
        agg = agg * jax.lax.reciprocal(jnp.maximum(deg, 1.0))[:, None]
        return jax.nn.relu(h @ W_self + agg)
    h = rgcn_layer(nodes, W_self0, W_msg0)
    out_nodes = rgcn_layer(h, W_self1, W_msg1)           # [N, D_HID]
    # ---- _get_conditioning_vector (cond_aggregation='all'), vmapped over hrm_state ----
    deg_s = jax.ops.segment_sum(jnp.ones_like(s0), s0, N) > 0
    deg_r = jax.ops.segment_sum(jnp.ones_like(s0), r0, N) > 0
    degree_mask = jnp.logical_or(deg_s, deg_r)
    graph_feats = jnp.sum(out_nodes * degree_mask[:, None], axis=0) / jnp.sum(degree_mask)
    def cond(rm, st):
        state_feats = out_nodes[rm * S + st]
        return jnp.concatenate((graph_feats, state_feats))
    return jax.vmap(cond)(rm_id, state_id)              # [B, 2*D_HID]


if False:  # reference __main__ guard neutralized (emitter)
    out = reference(**setup_inputs())
    print(out.shape)

if __name__ == "__main__":
    import jax
    _d = setup_inputs()
    print(jax.jit(kernel)(*tuple(_d.values())))

</pallas_src>

<mosaic_0001>
#map = affine_map<(d0, d1) -> (0)>
#map1 = affine_map<(d0, d1) -> (0, 0, 0)>
module attributes {stable_mosaic.version = 14 : i64} {
  func.func @_sc_bagsum_body(%arg0: i32, %arg1: i32, %arg2: memref<33825xi32, #tpu.memory_space<hbm>>, %arg3: memref<32x128x128xi32, #tpu.memory_space<hbm>>, %arg4: memref<32x128x16xi32, #tpu.memory_space<hbm>>, %arg5: memref<262144xf32, #tpu.memory_space<hbm>>, %arg6: memref<33825xi32, #tpu.memory_space<vmem>>, %arg7: memref<128x128xi32, #tpu.memory_space<vmem>>, %arg8: memref<128x16xi32, #tpu.memory_space<vmem>>, %arg9: memref<8192xf32, #tpu.memory_space<vmem>>) attributes {dimension_semantics = [#tpu.dimension_semantics<core_parallel>, #tpu.dimension_semantics<subcore_parallel>], iteration_bounds = array<i64: 2, 16>, scalar_prefetch = 0 : i64, scratch_operands = 4 : i64, tpu.core_type = #tpu.core_type<sc_vector_subcore>, window_params = [{transform_indices = #map}, {transform_indices = #map1}, {transform_indices = #map1}, {transform_indices = #map}]} {
    %mul3A = arith.constant 2 : i32
    %mul3A_0 = arith.muli %arg1, %mul3A : i32
    %add3A = arith.addi %mul3A_0, %arg0 : i32
    "tpu.region"() ({
      %run_scoped3A = tpu.sem_alloc : memref<!tpu.dma_semaphore, #tpu.memory_space<semaphore_mem>>
      tpu.enqueue_dma source(%arg2 : memref<33825xi32, #tpu.memory_space<hbm>>) target(%arg6 : memref<33825xi32, #tpu.memory_space<vmem>>) target_semaphore(%run_scoped3A : memref<!tpu.dma_semaphore, #tpu.memory_space<semaphore_mem>>)
      tpu.wait_dma2 semaphore(%run_scoped3A : memref<!tpu.dma_semaphore, #tpu.memory_space<semaphore_mem>>) src(%arg2 : memref<33825xi32, #tpu.memory_space<hbm>>) dst(%arg6 : memref<33825xi32, #tpu.memory_space<vmem>>)
      tpu.yield
    }) : () -> ()
    "tpu.region"() ({
      %run_scoped3A = tpu.sem_alloc : memref<!tpu.dma_semaphore, #tpu.memory_space<semaphore_mem>>
      %dma_start3A = arith.constant 0 : i32
      %dma_start3A_20 = arith.constant 0 : i32
      %dma_start3A_21 = tpu.memref_slice %arg3[%add3A, %dma_start3A, %dma_start3A_20] : memref<32x128x128xi32, #tpu.memory_space<hbm>> -> memref<1x128x128xi32, #tpu.memory_space<hbm>>
      %dma_start3A_22 = tpu.memref_squeeze %dma_start3A_21 : memref<1x128x128xi32, #tpu.memory_space<hbm>> -> memref<128x128xi32, #tpu.memory_space<hbm>>
      %dma_start3A_23 = arith.constant 0 : i32
      %dma_start3A_24 = arith.constant 0 : i32
      %dma_start3A_25 = tpu.memref_slice %arg3[%add3A, %dma_start3A_23, %dma_start3A_24] : memref<32x128x128xi32, #tpu.memory_space<hbm>> -> memref<1x128x128xi32, #tpu.memory_space<hbm>>
      %dma_start3A_26 = tpu.memref_squeeze %dma_start3A_25 : memref<1x128x128xi32, #tpu.memory_space<hbm>> -> memref<128x128xi32, #tpu.memory_space<hbm>>
      tpu.enqueue_dma source(%dma_start3A_26 : memref<128x128xi32, #tpu.memory_space<hbm>>) target(%arg7 : memref<128x128xi32, #tpu.memory_space<vmem>>) target_semaphore(%run_scoped3A : memref<!tpu.dma_semaphore, #tpu.memory_space<semaphore_mem>>)
      %dma_wait3A = arith.constant 0 : i32
      %dma_wait3A_27 = arith.constant 0 : i32
      %dma_wait3A_28 = tpu.memref_slice %arg3[%add3A, %dma_wait3A, %dma_wait3A_27] : memref<32x128x128xi32, #tpu.memory_space<hbm>> -> memref<1x128x128xi32, #tpu.memory_space<hbm>>
      %dma_wait3A_29 = tpu.memref_squeeze %dma_wait3A_28 : memref<1x128x128xi32, #tpu.memory_space<hbm>> -> memref<128x128xi32, #tpu.memory_space<hbm>>
      %dma_wait3A_30 = arith.constant 0 : i32
      %dma_wait3A_31 = arith.constant 0 : i32
      %dma_wait3A_32 = tpu.memref_slice %arg3[%add3A, %dma_wait3A_30, %dma_wait3A_31] : memref<32x128x128xi32, #tpu.memory_space<hbm>> -> memref<1x128x128xi32, #tpu.memory_space<hbm>>
      %dma_wait3A_33 = tpu.memref_squeeze %dma_wait3A_32 : memref<1x128x128xi32, #tpu.memory_space<hbm>> -> memref<128x128xi32, #tpu.memory_space<hbm>>
      tpu.wait_dma2 semaphore(%run_scoped3A : memref<!tpu.dma_semaphore, #tpu.memory_space<semaphore_mem>>) src(%dma_wait3A_33 : memref<128x128xi32, #tpu.memory_space<hbm>>) dst(%arg7 : memref<128x128xi32, #tpu.memory_space<vmem>>)
      tpu.yield
    }) : () -> ()
    "tpu.region"() ({
      %run_scoped3A = tpu.sem_alloc : memref<!tpu.dma_semaphore, #tpu.memory_space<semaphore_mem>>
      %dma_start3A = arith.constant 0 : i32
      %dma_start3A_20 = arith.constant 0 : i32
      %dma_start3A_21 = tpu.memref_slice %arg4[%add3A, %dma_start3A, %dma_start3A_20] : memref<32x128x16xi32, #tpu.memory_space<hbm>> -> memref<1x128x16xi32, #tpu.memory_space<hbm>>
      %dma_start3A_22 = tpu.memref_squeeze %dma_start3A_21 : memref<1x128x16xi32, #tpu.memory_space<hbm>> -> memref<128x16xi32, #tpu.memory_space<hbm>>
      %dma_start3A_23 = arith.constant 0 : i32
      %dma_start3A_24 = arith.constant 0 : i32
      %dma_start3A_25 = tpu.memref_slice %arg4[%add3A, %dma_start3A_23, %dma_start3A_24] : memref<32x128x16xi32, #tpu.memory_space<hbm>> -> memref<1x128x16xi32, #tpu.memory_space<hbm>>
      %dma_start3A_26 = tpu.memref_squeeze %dma_start3A_25 : memref<1x128x16xi32, #tpu.memory_space<hbm>> -> memref<128x16xi32, #tpu.memory_space<hbm>>
      tpu.enqueue_dma source(%dma_start3A_26 : memref<128x16xi32, #tpu.memory_space<hbm>>) target(%arg8 : memref<128x16xi32, #tpu.memory_space<vmem>>) target_semaphore(%run_scoped3A : memref<!tpu.dma_semaphore, #tpu.memory_space<semaphore_mem>>)
      %dma_wait3A = arith.constant 0 : i32
      %dma_wait3A_27 = arith.constant 0 : i32
      %dma_wait3A_28 = tpu.memref_slice %arg4[%add3A, %dma_wait3A, %dma_wait3A_27] : memref<32x128x16xi32, #tpu.memory_space<hbm>> -> memref<1x128x16xi32, #tpu.memory_space<hbm>>
      %dma_wait3A_29 = tpu.memref_squeeze %dma_wait3A_28 : memref<1x128x16xi32, #tpu.memory_space<hbm>> -> memref<128x16xi32, #tpu.memory_space<hbm>>
      %dma_wait3A_30 = arith.constant 0 : i32
      %dma_wait3A_31 = arith.constant 0 : i32
      %dma_wait3A_32 = tpu.memref_slice %arg4[%add3A, %dma_wait3A_30, %dma_wait3A_31] : memref<32x128x16xi32, #tpu.memory_space<hbm>> -> memref<1x128x16xi32, #tpu.memory_space<hbm>>
      %dma_wait3A_33 = tpu.memref_squeeze %dma_wait3A_32 : memref<1x128x16xi32, #tpu.memory_space<hbm>> -> memref<128x16xi32, #tpu.memory_space<hbm>>
      tpu.wait_dma2 semaphore(%run_scoped3A : memref<!tpu.dma_semaphore, #tpu.memory_space<semaphore_mem>>) src(%dma_wait3A_33 : memref<128x16xi32, #tpu.memory_space<hbm>>) dst(%arg8 : memref<128x16xi32, #tpu.memory_space<vmem>>)
      tpu.yield
    }) : () -> ()
    %iota3A = tpu.iota {dimensions = array<i32: 0>} : vector<16xi32>
    %and3A = arith.constant 7 : i32
    %and3A_1 = vector.broadcast %and3A : i32 to vector<16xi32>
    %and3A_2 = arith.andi %iota3A, %and3A_1 : vector<16xi32>
    %lt3A = arith.constant 8 : i32
    %lt3A_3 = vector.broadcast %lt3A : i32 to vector<16xi32>
    %lt3A_4 = arith.cmpi slt, %iota3A, %lt3A_3 : vector<16xi32>
    %broadcast_in_dim3A = arith.constant 0.000000e+00 : f32
    %broadcast_in_dim3A_5 = vector.broadcast %broadcast_in_dim3A : f32 to vector<16xf32>
    %broadcast_in_dim3A_6 = arith.constant 0.000000e+00 : bf16
    %broadcast_in_dim3A_7 = vector.broadcast %broadcast_in_dim3A_6 : bf16 to vector<32xbf16>
    %broadcast_in_dim3A_8 = arith.constant 1024 : i32
    %broadcast_in_dim3A_9 = vector.broadcast %broadcast_in_dim3A_8 : i32 to vector<16xi32>
    %scan3A = arith.constant 0 : i32
    %scan3A_10 = arith.constant 0 : i32
    %scan3A_11 = arith.constant 128 : i32
    %scan3A_12 = arith.addi %scan3A_10, %scan3A_11 : i32
    %scan3A_13 = arith.constant 1 : i32
    %scan3A_14 = scf.for %scan3A_20 = %scan3A_10 to %scan3A_12 step %scan3A_13 iter_args(%scan3A_21 = %scan3A) -> (i32)  : i32 {
      %get3A = arith.index_cast %scan3A_20 : i32 to index
      %get3A_22 = arith.constant 0 : index
      %get3A_23 = tpu.vector_load %arg8[%get3A, %get3A_22] {strides = array<i32>} : memref<128x16xi32, #tpu.memory_space<vmem>>, vector<16xi32>,
      %scan3A_24 = arith.constant 0 : i32
      %scan3A_25 = arith.constant 8 : i32
      %scan3A_26 = arith.addi %scan3A_24, %scan3A_25 : i32
      %scan3A_27 = arith.constant 1 : i32
      %scan3A_28:4 = scf.for %scan3A_67 = %scan3A_24 to %scan3A_26 step %scan3A_27 iter_args(%scan3A_68 = %broadcast_in_dim3A_5, %scan3A_69 = %broadcast_in_dim3A_5, %scan3A_70 = %broadcast_in_dim3A_5, %scan3A_71 = %broadcast_in_dim3A_5) -> (vector<16xf32>, vector<16xf32>, vector<16xf32>, vector<16xf32>)  : i32 {
        %mul3A_72 = arith.constant 16 : i32
        %mul3A_73 = arith.muli %scan3A_67, %mul3A_72 : i32
        %get3A_74 = arith.index_cast %scan3A_20 : i32 to index
        %get3A_75 = arith.index_cast %mul3A_73 : i32 to index
        %get3A_76 = tpu.vector_load %arg7[%get3A_74, %get3A_75] {strides = array<i32>} : memref<128x128xi32, #tpu.memory_space<vmem>>, vector<16xi32>,
        %mul3A_77 = arith.constant 2 : i32
        %mul3A_78 = arith.muli %mul3A_77, %scan3A_67 : i32
        %broadcast_in_dim3A_79 = vector.broadcast %mul3A_78 : i32 to vector<16xi32>
        %lt3A_80 = arith.constant 0 : i32
        %lt3A_81 = vector.broadcast %lt3A_80 : i32 to vector<16xi32>
        %lt3A_82 = arith.cmpi slt, %broadcast_in_dim3A_79, %lt3A_81 : vector<16xi32>
        %add3A_83 = arith.constant 16 : i32
        %add3A_84 = vector.broadcast %add3A_83 : i32 to vector<16xi32>
        %add3A_85 = arith.addi %broadcast_in_dim3A_79, %add3A_84 : vector<16xi32>
        %select_n3A = arith.select %lt3A_82, %add3A_85, %broadcast_in_dim3A_79 : vector<16xi1>, vector<16xi32>
        %broadcast_in_dim3A_86 = vector.shape_cast %select_n3A : vector<16xi32> to vector<16x1xi32>
        %gather3A = vector.shape_cast %broadcast_in_dim3A_86 : vector<16x1xi32> to vector<16xi32>
        %gather3A_87 = tpu.dynamic_gather %get3A_23[%gather3A] in [0] : vector<16xi32>, vector<16xi32> -> vector<16xi32>
        %mul3A_88 = arith.constant 2 : i32
        %mul3A_89 = arith.muli %mul3A_88, %scan3A_67 : i32
        %add3A_90 = arith.constant 1 : i32
        %add3A_91 = arith.addi %mul3A_89, %add3A_90 : i32
        %broadcast_in_dim3A_92 = vector.broadcast %add3A_91 : i32 to vector<16xi32>
        %lt3A_93 = arith.constant 0 : i32
        %lt3A_94 = vector.broadcast %lt3A_93 : i32 to vector<16xi32>
        %lt3A_95 = arith.cmpi slt, %broadcast_in_dim3A_92, %lt3A_94 : vector<16xi32>
        %add3A_96 = arith.constant 16 : i32
        %add3A_97 = vector.broadcast %add3A_96 : i32 to vector<16xi32>
        %add3A_98 = arith.addi %broadcast_in_dim3A_92, %add3A_97 : vector<16xi32>
        %select_n3A_99 = arith.select %lt3A_95, %add3A_98, %broadcast_in_dim3A_92 : vector<16xi1>, vector<16xi32>
        %broadcast_in_dim3A_100 = vector.shape_cast %select_n3A_99 : vector<16xi32> to vector<16x1xi32>
        %gather3A_101 = vector.shape_cast %broadcast_in_dim3A_100 : vector<16x1xi32> to vector<16xi32>
        %gather3A_102 = tpu.dynamic_gather %get3A_23[%gather3A_101] in [0] : vector<16xi32>, vector<16xi32> -> vector<16xi32>
        %select_n3A_103 = arith.select %lt3A_4, %gather3A_87, %gather3A_102 : vector<16xi1>, vector<16xi32>
        %lt3A_104 = arith.cmpi slt, %and3A_2, %select_n3A_103 : vector<16xi32>
        %select_n3A_105 = arith.select %lt3A_104, %get3A_76, %broadcast_in_dim3A_9 : vector<16xi1>, vector<16xi32>
        %broadcast_in_dim3A_106 = arith.constant 0 : i32
        %broadcast_in_dim3A_107 = vector.broadcast %broadcast_in_dim3A_106 : i32 to vector<16xi32>
        %lt3A_108 = arith.constant 0 : i32
        %lt3A_109 = vector.broadcast %lt3A_108 : i32 to vector<16xi32>
        %lt3A_110 = arith.cmpi slt, %broadcast_in_dim3A_107, %lt3A_109 : vector<16xi32>
        %add3A_111 = arith.constant 16 : i32
        %add3A_112 = vector.broadcast %add3A_111 : i32 to vector<16xi32>
        %add3A_113 = arith.addi %broadcast_in_dim3A_107, %add3A_112 : vector<16xi32>
        %select_n3A_114 = arith.select %lt3A_110, %add3A_113, %broadcast_in_dim3A_107 : vector<16xi1>, vector<16xi32>
        %broadcast_in_dim3A_115 = vector.shape_cast %select_n3A_114 : vector<16xi32> to vector<16x1xi32>
        %gather3A_116 = vector.shape_cast %broadcast_in_dim3A_115 : vector<16x1xi32> to vector<16xi32>
        %gather3A_117 = tpu.dynamic_gather %select_n3A_105[%gather3A_116] in [0] : vector<16xi32>, vector<16xi32> -> vector<16xi32>
        %mul3A_118 = arith.constant 33 : i32
        %mul3A_119 = vector.broadcast %mul3A_118 : i32 to vector<16xi32>
        %mul3A_120 = arith.muli %gather3A_117, %mul3A_119 : vector<16xi32>
        %add3A_121 = arith.addi %mul3A_120, %iota3A : vector<16xi32>
        %gather3A_122 = tpu.vector_load_idx %arg6[%add3A_121] : memref<33825xi32, #tpu.memory_space<vmem>>[vector<16xi32>], vector<16xi32>,
        %add3A_123 = arith.constant 16 : i32
        %add3A_124 = vector.broadcast %add3A_123 : i32 to vector<16xi32>
        %add3A_125 = arith.addi %add3A_121, %add3A_124 : vector<16xi32>
        %gather3A_126 = tpu.vector_load_idx %arg6[%add3A_125] : memref<33825xi32, #tpu.memory_space<vmem>>[vector<16xi32>], vector<16xi32>,
        %bitcast3A = vector.bitcast %gather3A_122 : vector<16xi32> to vector<32xbf16>
        %add3A_127 = arith.addf %broadcast_in_dim3A_7, %bitcast3A : vector<32xbf16>
        %bitcast3A_128 = vector.bitcast %gather3A_126 : vector<16xi32> to vector<32xbf16>
        %add3A_129 = arith.addf %broadcast_in_dim3A_7, %bitcast3A_128 : vector<32xbf16>
        %broadcast_in_dim3A_130 = arith.constant 1 : i32
        %broadcast_in_dim3A_131 = vector.broadcast %broadcast_in_dim3A_130 : i32 to vector<16xi32>
        %lt3A_132 = arith.constant 0 : i32
        %lt3A_133 = vector.broadcast %lt3A_132 : i32 to vector<16xi32>
        %lt3A_134 = arith.cmpi slt, %broadcast_in_dim3A_131, %lt3A_133 : vector<16xi32>
        %add3A_135 = arith.constant 16 : i32
        %add3A_136 = vector.broadcast %add3A_135 : i32 to vector<16xi32>
        %add3A_137 = arith.addi %broadcast_in_dim3A_131, %add3A_136 : vector<16xi32>
        %select_n3A_138 = arith.select %lt3A_134, %add3A_137, %broadcast_in_dim3A_131 : vector<16xi1>, vector<16xi32>
        %broadcast_in_dim3A_139 = vector.shape_cast %select_n3A_138 : vector<16xi32> to vector<16x1xi32>
        %gather3A_140 = vector.shape_cast %broadcast_in_dim3A_139 : vector<16x1xi32> to vector<16xi32>
        %gather3A_141 = tpu.dynamic_gather %select_n3A_105[%gather3A_140] in [0] : vector<16xi32>, vector<16xi32> -> vector<16xi32>
        %mul3A_142 = arith.constant 33 : i32
        %mul3A_143 = vector.broadcast %mul3A_142 : i32 to vector<16xi32>
        %mul3A_144 = arith.muli %gather3A_141, %mul3A_143 : vector<16xi32>
        %add3A_145 = arith.addi %mul3A_144, %iota3A : vector<16xi32>
        %gather3A_146 = tpu.vector_load_idx %arg6[%add3A_145] : memref<33825xi32, #tpu.memory_space<vmem>>[vector<16xi32>], vector<16xi32>,
        %add3A_147 = arith.constant 16 : i32
        %add3A_148 = vector.broadcast %add3A_147 : i32 to vector<16xi32>
        %add3A_149 = arith.addi %add3A_145, %add3A_148 : vector<16xi32>
        %gather3A_150 = tpu.vector_load_idx %arg6[%add3A_149] : memref<33825xi32, #tpu.memory_space<vmem>>[vector<16xi32>], vector<16xi32>,
        %bitcast3A_151 = vector.bitcast %gather3A_146 : vector<16xi32> to vector<32xbf16>
        %add3A_152 = arith.addf %add3A_127, %bitcast3A_151 : vector<32xbf16>
        %bitcast3A_153 = vector.bitcast %gather3A_150 : vector<16xi32> to vector<32xbf16>
        %add3A_154 = arith.addf %add3A_129, %bitcast3A_153 : vector<32xbf16>
        %broadcast_in_dim3A_155 = arith.constant 2 : i32
        %broadcast_in_dim3A_156 = vector.broadcast %broadcast_in_dim3A_155 : i32 to vector<16xi32>
        %lt3A_157 = arith.constant 0 : i32
        %lt3A_158 = vector.broadcast %lt3A_157 : i32 to vector<16xi32>
        %lt3A_159 = arith.cmpi slt, %broadcast_in_dim3A_156, %lt3A_158 : vector<16xi32>
        %add3A_160 = arith.constant 16 : i32
        %add3A_161 = vector.broadcast %add3A_160 : i32 to vector<16xi32>
        %add3A_162 = arith.addi %broadcast_in_dim3A_156, %add3A_161 : vector<16xi32>
        %select_n3A_163 = arith.select %lt3A_159, %add3A_162, %broadcast_in_dim3A_156 : vector<16xi1>, vector<16xi32>
        %broadcast_in_dim3A_164 = vector.shape_cast %select_n3A_163 : vector<16xi32> to vector<16x1xi32>
        %gather3A_165 = vector.shape_cast %broadcast_in_dim3A_164 : vector<16x1xi32> to vector<16xi32>
        %gather3A_166 = tpu.dynamic_gather %select_n3A_105[%gather3A_165] in [0] : vector<16xi32>, vector<16xi32> -> vector<16xi32>
        %mul3A_167 = arith.constant 33 : i32
        %mul3A_168 = vector.broadcast %mul3A_167 : i32 to vector<16xi32>
        %mul3A_169 = arith.muli %gather3A_166, %mul3A_168 : vector<16xi32>
        %add3A_170 = arith.addi %mul3A_169, %iota3A : vector<16xi32>
        %gather3A_171 = tpu.vector_load_idx %arg6[%add3A_170] : memref<33825xi32, #tpu.memory_space<vmem>>[vector<16xi32>], vector<16xi32>,
        %add3A_172 = arith.constant 16 : i32
        %add3A_173 = vector.broadcast %add3A_172 : i32 to vector<16xi32>
        %add3A_174 = arith.addi %add3A_170, %add3A_173 : vector<16xi32>
        %gather3A_175 = tpu.vector_load_idx %arg6[%add3A_174] : memref<33825xi32, #tpu.memory_space<vmem>>[vector<16xi32>], vector<16xi32>,
        %bitcast3A_176 = vector.bitcast %gather3A_171 : vector<16xi32> to vector<32xbf16>
        %add3A_177 = arith.addf %add3A_152, %bitcast3A_176 : vector<32xbf16>
        %bitcast3A_178 = vector.bitcast %gather3A_175 : vector<16xi32> to vector<32xbf16>
        %add3A_179 = arith.addf %add3A_154, %bitcast3A_178 : vector<32xbf16>
        %broadcast_in_dim3A_180 = arith.constant 3 : i32
        %broadcast_in_dim3A_181 = vector.broadcast %broadcast_in_dim3A_180 : i32 to vector<16xi32>
        %lt3A_182 = arith.constant 0 : i32
        %lt3A_183 = vector.broadcast %lt3A_182 : i32 to vector<16xi32>
        %lt3A_184 = arith.cmpi slt, %broadcast_in_dim3A_181, %lt3A_183 : vector<16xi32>
        %add3A_185 = arith.constant 16 : i32
        %add3A_186 = vector.broadcast %add3A_185 : i32 to vector<16xi32>
        %add3A_187 = arith.addi %broadcast_in_dim3A_181, %add3A_186 : vector<16xi32>
        %select_n3A_188 = arith.select %lt3A_184, %add3A_187, %broadcast_in_dim3A_181 : vector<16xi1>, vector<16xi32>
        %broadcast_in_dim3A_189 = vector.shape_cast %select_n3A_188 : vector<16xi32> to vector<16x1xi32>
        %gather3A_190 = vector.shape_cast %broadcast_in_dim3A_189 : vector<16x1xi32> to vector<16xi32>
        %gather3A_191 = tpu.dynamic_gather %select_n3A_105[%gather3A_190] in [0] : vector<16xi32>, vector<16xi32> -> vector<16xi32>
        %mul3A_192 = arith.constant 33 : i32
        %mul3A_193 = vector.broadcast %mul3A_192 : i32 to vector<16xi32>
        %mul3A_194 = arith.muli %gather3A_191, %mul3A_193 : vector<16xi32>
        %add3A_195 = arith.addi %mul3A_194, %iota3A : vector<16xi32>
        %gather3A_196 = tpu.vector_load_idx %arg6[%add3A_195] : memref<33825xi32, #tpu.memory_space<vmem>>[vector<16xi32>], vector<16xi32>,
        %add3A_197 = arith.constant 16 : i32
        %add3A_198 = vector.broadcast %add3A_197 : i32 to vector<16xi32>
        %add3A_199 = arith.addi %add3A_195, %add3A_198 : vector<16xi32>
        %gather3A_200 = tpu.vector_load_idx %arg6[%add3A_199] : memref<33825xi32, #tpu.memory_space<vmem>>[vector<16xi32>], vector<16xi32>,
        %bitcast3A_201 = vector.bitcast %gather3A_196 : vector<16xi32> to vector<32xbf16>
        %add3A_202 = arith.addf %add3A_177, %bitcast3A_201 : vector<32xbf16>
        %bitcast3A_203 = vector.bitcast %gather3A_200 : vector<16xi32> to vector<32xbf16>
        %add3A_204 = arith.addf %add3A_179, %bitcast3A_203 : vector<32xbf16>
        %broadcast_in_dim3A_205 = arith.constant 4 : i32
        %broadcast_in_dim3A_206 = vector.broadcast %broadcast_in_dim3A_205 : i32 to vector<16xi32>
        %lt3A_207 = arith.constant 0 : i32
        %lt3A_208 = vector.broadcast %lt3A_207 : i32 to vector<16xi32>
        %lt3A_209 = arith.cmpi slt, %broadcast_in_dim3A_206, %lt3A_208 : vector<16xi32>
        %add3A_210 = arith.constant 16 : i32
        %add3A_211 = vector.broadcast %add3A_210 : i32 to vector<16xi32>
        %add3A_212 = arith.addi %broadcast_in_dim3A_206, %add3A_211 : vector<16xi32>
        %select_n3A_213 = arith.select %lt3A_209, %add3A_212, %broadcast_in_dim3A_206 : vector<16xi1>, vector<16xi32>
        %broadcast_in_dim3A_214 = vector.shape_cast %select_n3A_213 : vector<16xi32> to vector<16x1xi32>
        %gather3A_215 = vector.shape_cast %broadcast_in_dim3A_214 : vector<16x1xi32> to vector<16xi32>
        %gather3A_216 = tpu.dynamic_gather %select_n3A_105[%gather3A_215] in [0] : vector<16xi32>, vector<16xi32> -> vector<16xi32>
        %mul3A_217 = arith.constant 33 : i32
        %mul3A_218 = vector.broadcast %mul3A_217 : i32 to vector<16xi32>
        %mul3A_219 = arith.muli %gather3A_216, %mul3A_218 : vector<16xi32>
        %add3A_220 = arith.addi %mul3A_219, %iota3A : vector<16xi32>
        %gather3A_221 = tpu.vector_load_idx %arg6[%add3A_220] : memref<33825xi32, #tpu.memory_space<vmem>>[vector<16xi32>], vector<16xi32>,
        %add3A_222 = arith.constant 16 : i32
        %add3A_223 = vector.broadcast %add3A_222 : i32 to vector<16xi32>
        %add3A_224 = arith.addi %add3A_220, %add3A_223 : vector<16xi32>
        %gather3A_225 = tpu.vector_load_idx %arg6[%add3A_224] : memref<33825xi32, #tpu.memory_space<vmem>>[vector<16xi32>], vector<16xi32>,
        %bitcast3A_226 = vector.bitcast %gather3A_221 : vector<16xi32> to vector<32xbf16>
        %add3A_227 = arith.addf %add3A_202, %bitcast3A_226 : vector<32xbf16>
        %bitcast3A_228 = vector.bitcast %gather3A_225 : vector<16xi32> to vector<32xbf16>
        %add3A_229 = arith.addf %add3A_204, %bitcast3A_228 : vector<32xbf16>
        %broadcast_in_dim3A_230 = arith.constant 5 : i32
        %broadcast_in_dim3A_231 = vector.broadcast %broadcast_in_dim3A_230 : i32 to vector<16xi32>
        %lt3A_232 = arith.constant 0 : i32
        %lt3A_233 = vector.broadcast %lt3A_232 : i32 to vector<16xi32>
        %lt3A_234 = arith.cmpi slt, %broadcast_in_dim3A_231, %lt3A_233 : vector<16xi32>
        %add3A_235 = arith.constant 16 : i32
        %add3A_236 = vector.broadcast %add3A_235 : i32 to vector<16xi32>
        %add3A_237 = arith.addi %broadcast_in_dim3A_231, %add3A_236 : vector<16xi32>
        %select_n3A_238 = arith.select %lt3A_234, %add3A_237, %broadcast_in_dim3A_231 : vector<16xi1>, vector<16xi32>
        %broadcast_in_dim3A_239 = vector.shape_cast %select_n3A_238 : vector<16xi32> to vector<16x1xi32>
        %gather3A_240 = vector.shape_cast %broadcast_in_dim3A_239 : vector<16x1xi32> to vector<16xi32>
        %gather3A_241 = tpu.dynamic_gather %select_n3A_105[%gather3A_240] in [0] : vector<16xi32>, vector<16xi32> -> vector<16xi32>
        %mul3A_242 = arith.constant 33 : i32
        %mul3A_243 = vector.broadcast %mul3A_242 : i32 to vector<16xi32>
        %mul3A_244 = arith.muli %gather3A_241, %mul3A_243 : vector<16xi32>
        %add3A_245 = arith.addi %mul3A_244, %iota3A : vector<16xi32>
        %gather3A_246 = tpu.vector_load_idx %arg6[%add3A_245] : memref<33825xi32, #tpu.memory_space<vmem>>[vector<16xi32>], vector<16xi32>,
        %add3A_247 = arith.constant 16 : i32
        %add3A_248 = vector.broadcast %add3A_247 : i32 to vector<16xi32>
        %add3A_249 = arith.addi %add3A_245, %add3A_248 : vector<16xi32>
        %gather3A_250 = tpu.vector_load_idx %arg6[%add3A_249] : memref<33825xi32, #tpu.memory_space<vmem>>[vector<16xi32>], vector<16xi32>,
        %bitcast3A_251 = vector.bitcast %gather3A_246 : vector<16xi32> to vector<32xbf16>
        %add3A_252 = arith.addf %add3A_227, %bitcast3A_251 : vector<32xbf16>
        %bitcast3A_253 = vector.bitcast %gather3A_250 : vector<16xi32> to vector<32xbf16>
        %add3A_254 = arith.addf %add3A_229, %bitcast3A_253 : vector<32xbf16>
        %broadcast_in_dim3A_255 = arith.constant 6 : i32
        %broadcast_in_dim3A_256 = vector.broadcast %broadcast_in_dim3A_255 : i32 to vector<16xi32>
        %lt3A_257 = arith.constant 0 : i32
        %lt3A_258 = vector.broadcast %lt3A_257 : i32 to vector<16xi32>
        %lt3A_259 = arith.cmpi slt, %broadcast_in_dim3A_256, %lt3A_258 : vector<16xi32>
        %add3A_260 = arith.constant 16 : i32
        %add3A_261 = vector.broadcast %add3A_260 : i32 to vector<16xi32>
        %add3A_262 = arith.addi %broadcast_in_dim3A_256, %add3A_261 : vector<16xi32>
        %select_n3A_263 = arith.select %lt3A_259, %add3A_262, %broadcast_in_dim3A_256 : vector<16xi1>, vector<16xi32>
        %broadcast_in_dim3A_264 = vector.shape_cast %select_n3A_263 : vector<16xi32> to vector<16x1xi32>
        %gather3A_265 = vector.shape_cast %broadcast_in_dim3A_264 : vector<16x1xi32> to vector<16xi32>
        %gather3A_266 = tpu.dynamic_gather %select_n3A_105[%gather3A_265] in [0] : vector<16xi32>, vector<16xi32> -> vector<16xi32>
        %mul3A_267 = arith.constant 33 : i32
        %mul3A_268 = vector.broadcast %mul3A_267 : i32 to vector<16xi32>
        %mul3A_269 = arith.muli %gather3A_266, %mul3A_268 : vector<16xi32>
        %add3A_270 = arith.addi %mul3A_269, %iota3A : vector<16xi32>
        %gather3A_271 = tpu.vector_load_idx %arg6[%add3A_270] : memref<33825xi32, #tpu.memory_space<vmem>>[vector<16xi32>], vector<16xi32>,
        %add3A_272 = arith.constant 16 : i32
        %add3A_273 = vector.broadcast %add3A_272 : i32 to vector<16xi32>
        %add3A_274 = arith.addi %add3A_270, %add3A_273 : vector<16xi32>
        %gather3A_275 = tpu.vector_load_idx %arg6[%add3A_274] : memref<33825xi32, #tpu.memory_space<vmem>>[vector<16xi32>], vector<16xi32>,
        %bitcast3A_276 = vector.bitcast %gather3A_271 : vector<16xi32> to vector<32xbf16>
        %add3A_277 = arith.addf %add3A_252, %bitcast3A_276 : vector<32xbf16>
        %bitcast3A_278 = vector.bitcast %gather3A_275 : vector<16xi32> to vector<32xbf16>
        %add3A_279 = arith.addf %add3A_254, %bitcast3A_278 : vector<32xbf16>
        %broadcast_in_dim3A_280 = arith.constant 7 : i32
        %broadcast_in_dim3A_281 = vector.broadcast %broadcast_in_dim3A_280 : i32 to vector<16xi32>
        %lt3A_282 = arith.constant 0 : i32
        %lt3A_283 = vector.broadcast %lt3A_282 : i32 to vector<16xi32>
        %lt3A_284 = arith.cmpi slt, %broadcast_in_dim3A_281, %lt3A_283 : vector<16xi32>
        %add3A_285 = arith.constant 16 : i32
        %add3A_286 = vector.broadcast %add3A_285 : i32 to vector<16xi32>
        %add3A_287 = arith.addi %broadcast_in_dim3A_281, %add3A_286 : vector<16xi32>
        %select_n3A_288 = arith.select %lt3A_284, %add3A_287, %broadcast_in_dim3A_281 : vector<16xi1>, vector<16xi32>
        %broadcast_in_dim3A_289 = vector.shape_cast %select_n3A_288 : vector<16xi32> to vector<16x1xi32>
        %gather3A_290 = vector.shape_cast %broadcast_in_dim3A_289 : vector<16x1xi32> to vector<16xi32>
        %gather3A_291 = tpu.dynamic_gather %select_n3A_105[%gather3A_290] in [0] : vector<16xi32>, vector<16xi32> -> vector<16xi32>
        %mul3A_292 = arith.constant 33 : i32
        %mul3A_293 = vector.broadcast %mul3A_292 : i32 to vector<16xi32>
        %mul3A_294 = arith.muli %gather3A_291, %mul3A_293 : vector<16xi32>
        %add3A_295 = arith.addi %mul3A_294, %iota3A : vector<16xi32>
        %gather3A_296 = tpu.vector_load_idx %arg6[%add3A_295] : memref<33825xi32, #tpu.memory_space<vmem>>[vector<16xi32>], vector<16xi32>,
        %add3A_297 = arith.constant 16 : i32
        %add3A_298 = vector.broadcast %add3A_297 : i32 to vector<16xi32>
        %add3A_299 = arith.addi %add3A_295, %add3A_298 : vector<16xi32>
        %gather3A_300 = tpu.vector_load_idx %arg6[%add3A_299] : memref<33825xi32, #tpu.memory_space<vmem>>[vector<16xi32>], vector<16xi32>,
        %bitcast3A_301 = vector.bitcast %gather3A_296 : vector<16xi32> to vector<32xbf16>
        %add3A_302 = arith.addf %add3A_277, %bitcast3A_301 : vector<32xbf16>
        %bitcast3A_303 = vector.bitcast %gather3A_300 : vector<16xi32> to vector<32xbf16>
        %add3A_304 = arith.addf %add3A_279, %bitcast3A_303 : vector<32xbf16>
        %broadcast_in_dim3A_305 = arith.constant 8 : i32
        %broadcast_in_dim3A_306 = vector.broadcast %broadcast_in_dim3A_305 : i32 to vector<16xi32>
        %lt3A_307 = arith.constant 0 : i32
        %lt3A_308 = vector.broadcast %lt3A_307 : i32 to vector<16xi32>
        %lt3A_309 = arith.cmpi slt, %broadcast_in_dim3A_306, %lt3A_308 : vector<16xi32>
        %add3A_310 = arith.constant 16 : i32
        %add3A_311 = vector.broadcast %add3A_310 : i32 to vector<16xi32>
        %add3A_312 = arith.addi %broadcast_in_dim3A_306, %add3A_311 : vector<16xi32>
        %select_n3A_313 = arith.select %lt3A_309, %add3A_312, %broadcast_in_dim3A_306 : vector<16xi1>, vector<16xi32>
        %broadcast_in_dim3A_314 = vector.shape_cast %select_n3A_313 : vector<16xi32> to vector<16x1xi32>
        %gather3A_315 = vector.shape_cast %broadcast_in_dim3A_314 : vector<16x1xi32> to vector<16xi32>
        %gather3A_316 = tpu.dynamic_gather %select_n3A_105[%gather3A_315] in [0] : vector<16xi32>, vector<16xi32> -> vector<16xi32>
        %mul3A_317 = arith.constant 33 : i32
        %mul3A_318 = vector.broadcast %mul3A_317 : i32 to vector<16xi32>
        %mul3A_319 = arith.muli %gather3A_316, %mul3A_318 : vector<16xi32>
        %add3A_320 = arith.addi %mul3A_319, %iota3A : vector<16xi32>
        %gather3A_321 = tpu.vector_load_idx %arg6[%add3A_320] : memref<33825xi32, #tpu.memory_space<vmem>>[vector<16xi32>], vector<16xi32>,
        %add3A_322 = arith.constant 16 : i32
        %add3A_323 = vector.broadcast %add3A_322 : i32 to vector<16xi32>
        %add3A_324 = arith.addi %add3A_320, %add3A_323 : vector<16xi32>
        %gather3A_325 = tpu.vector_load_idx %arg6[%add3A_324] : memref<33825xi32, #tpu.memory_space<vmem>>[vector<16xi32>], vector<16xi32>,
        %bitcast3A_326 = vector.bitcast %gather3A_321 : vector<16xi32> to vector<32xbf16>
        %add3A_327 = arith.addf %add3A_302, %bitcast3A_326 : vector<32xbf16>
        %bitcast3A_328 = vector.bitcast %gather3A_325 : vector<16xi32> to vector<32xbf16>
        %add3A_329 = arith.addf %add3A_304, %bitcast3A_328 : vector<32xbf16>
        %broadcast_in_dim3A_330 = arith.constant 9 : i32
        %broadcast_in_dim3A_331 = vector.broadcast %broadcast_in_dim3A_330 : i32 to vector<16xi32>
        %lt3A_332 = arith.constant 0 : i32
        %lt3A_333 = vector.broadcast %lt3A_332 : i32 to vector<16xi32>
        %lt3A_334 = arith.cmpi slt, %broadcast_in_dim3A_331, %lt3A_333 : vector<16xi32>
        %add3A_335 = arith.constant 16 : i32
        %add3A_336 = vector.broadcast %add3A_335 : i32 to vector<16xi32>
        %add3A_337 = arith.addi %broadcast_in_dim3A_331, %add3A_336 : vector<16xi32>
        %select_n3A_338 = arith.select %lt3A_334, %add3A_337, %broadcast_in_dim3A_331 : vector<16xi1>, vector<16xi32>
        %broadcast_in_dim3A_339 = vector.shape_cast %select_n3A_338 : vector<16xi32> to vector<16x1xi32>
        %gather3A_340 = vector.shape_cast %broadcast_in_dim3A_339 : vector<16x1xi32> to vector<16xi32>
        %gather3A_341 = tpu.dynamic_gather %select_n3A_105[%gather3A_340] in [0] : vector<16xi32>, vector<16xi32> -> vector<16xi32>
        %mul3A_342 = arith.constant 33 : i32
        %mul3A_343 = vector.broadcast %mul3A_342 : i32 to vector<16xi32>
        %mul3A_344 = arith.muli %gather3A_341, %mul3A_343 : vector<16xi32>
        %add3A_345 = arith.addi %mul3A_344, %iota3A : vector<16xi32>
        %gather3A_346 = tpu.vector_load_idx %arg6[%add3A_345] : memref<33825xi32, #tpu.memory_space<vmem>>[vector<16xi32>], vector<16xi32>,
        %add3A_347 = arith.constant 16 : i32
        %add3A_348 = vector.broadcast %add3A_347 : i32 to vector<16xi32>
        %add3A_349 = arith.addi %add3A_345, %add3A_348 : vector<16xi32>
        %gather3A_350 = tpu.vector_load_idx %arg6[%add3A_349] : memref<33825xi32, #tpu.memory_space<vmem>>[vector<16xi32>], vector<16xi32>,
        %bitcast3A_351 = vector.bitcast %gather3A_346 : vector<16xi32> to vector<32xbf16>
        %add3A_352 = arith.addf %add3A_327, %bitcast3A_351 : vector<32xbf16>
        %bitcast3A_353 = vector.bitcast %gather3A_350 : vector<16xi32> to vector<32xbf16>
        %add3A_354 = arith.addf %add3A_329, %bitcast3A_353 : vector<32xbf16>
        %broadcast_in_dim3A_355 = arith.constant 10 : i32
        %broadcast_in_dim3A_356 = vector.broadcast %broadcast_in_dim3A_355 : i32 to vector<16xi32>
        %lt3A_357 = arith.constant 0 : i32
        %lt3A_358 = vector.broadcast %lt3A_357 : i32 to vector<16xi32>
        %lt3A_359 = arith.cmpi slt, %broadcast_in_dim3A_356, %lt3A_358 : vector<16xi32>
        %add3A_360 = arith.constant 16 : i32
        %add3A_361 = vector.broadcast %add3A_360 : i32 to vector<16xi32>
        %add3A_362 = arith.addi %broadcast_in_dim3A_356, %add3A_361 : vector<16xi32>
        %select_n3A_363 = arith.select %lt3A_359, %add3A_362, %broadcast_in_dim3A_356 : vector<16xi1>, vector<16xi32>
        %broadcast_in_dim3A_364 = vector.shape_cast %select_n3A_363 : vector<16xi32> to vector<16x1xi32>
        %gather3A_365 = vector.shape_cast %broadcast_in_dim3A_364 : vector<16x1xi32> to vector<16xi32>
        %gather3A_366 = tpu.dynamic_gather %select_n3A_105[%gather3A_365] in [0] : vector<16xi32>, vector<16xi32> -> vector<16xi32>
        %mul3A_367 = arith.constant 33 : i32
        %mul3A_368 = vector.broadcast %mul3A_367 : i32 to vector<16xi32>
        %mul3A_369 = arith.muli %gather3A_366, %mul3A_368 : vector<16xi32>
        %add3A_370 = arith.addi %mul3A_369, %iota3A : vector<16xi32>
        %gather3A_371 = tpu.vector_load_idx %arg6[%add3A_370] : memref<33825xi32, #tpu.memory_space<vmem>>[vector<16xi32>], vector<16xi32>,
        %add3A_372 = arith.constant 16 : i32
        %add3A_373 = vector.broadcast %add3A_372 : i32 to vector<16xi32>
        %add3A_374 = arith.addi %add3A_370, %add3A_373 : vector<16xi32>
        %gather3A_375 = tpu.vector_load_idx %arg6[%add3A_374] : memref<33825xi32, #tpu.memory_space<vmem>>[vector<16xi32>], vector<16xi32>,
        %bitcast3A_376 = vector.bitcast %gather3A_371 : vector<16xi32> to vector<32xbf16>
        %add3A_377 = arith.addf %add3A_352, %bitcast3A_376 : vector<32xbf16>
        %bitcast3A_378 = vector.bitcast %gather3A_375 : vector<16xi32> to vector<32xbf16>
        %add3A_379 = arith.addf %add3A_354, %bitcast3A_378 : vector<32xbf16>
        %broadcast_in_dim3A_380 = arith.constant 11 : i32
        %broadcast_in_dim3A_381 = vector.broadcast %broadcast_in_dim3A_380 : i32 to vector<16xi32>
        %lt3A_382 = arith.constant 0 : i32
        %lt3A_383 = vector.broadcast %lt3A_382 : i32 to vector<16xi32>
        %lt3A_384 = arith.cmpi slt, %broadcast_in_dim3A_381, %lt3A_383 : vector<16xi32>
        %add3A_385 = arith.constant 16 : i32
        %add3A_386 = vector.broadcast %add3A_385 : i32 to vector<16xi32>
        %add3A_387 = arith.addi %broadcast_in_dim3A_381, %add3A_386 : vector<16xi32>
        %select_n3A_388 = arith.select %lt3A_384, %add3A_387, %broadcast_in_dim3A_381 : vector<16xi1>, vector<16xi32>
        %broadcast_in_dim3A_389 = vector.shape_cast %select_n3A_388 : vector<16xi32> to vector<16x1xi32>
        %gather3A_390 = vector.shape_cast %broadcast_in_dim3A_389 : vector<16x1xi32> to vector<16xi32>
        %gather3A_391 = tpu.dynamic_gather %select_n3A_105[%gather3A_390] in [0] : vector<16xi32>, vector<16xi32> -> vector<16xi32>
        %mul3A_392 = arith.constant 33 : i32
        %mul3A_393 = vector.broadcast %mul3A_392 : i32 to vector<16xi32>
        %mul3A_394 = arith.muli %gather3A_391, %mul3A_393 : vector<16xi32>
        %add3A_395 = arith.addi %mul3A_394, %iota3A : vector<16xi32>
        %gather3A_396 = tpu.vector_load_idx %arg6[%add3A_395] : memref<33825xi32, #tpu.memory_space<vmem>>[vector<16xi32>], vector<16xi32>,
        %add3A_397 = arith.constant 16 : i32
        %add3A_398 = vector.broadcast %add3A_397 : i32 to vector<16xi32>
        %add3A_399 = arith.addi %add3A_395, %add3A_398 : vector<16xi32>
        %gather3A_400 = tpu.vector_load_idx %arg6[%add3A_399] : memref<33825xi32, #tpu.memory_space<vmem>>[vector<16xi32>], vector<16xi32>,
        %bitcast3A_401 = vector.bitcast %gather3A_396 : vector<16xi32> to vector<32xbf16>
        %add3A_402 = arith.addf %add3A_377, %bitcast3A_401 : vector<32xbf16>
        %bitcast3A_403 = vector.bitcast %gather3A_400 : vector<16xi32> to vector<32xbf16>
        %add3A_404 = arith.addf %add3A_379, %bitcast3A_403 : vector<32xbf16>
        %broadcast_in_dim3A_405 = arith.constant 12 : i32
        %broadcast_in_dim3A_406 = vector.broadcast %broadcast_in_dim3A_405 : i32 to vector<16xi32>
        %lt3A_407 = arith.constant 0 : i32
        %lt3A_408 = vector.broadcast %lt3A_407 : i32 to vector<16xi32>
        %lt3A_409 = arith.cmpi slt, %broadcast_in_dim3A_406, %lt3A_408 : vector<16xi32>
        %add3A_410 = arith.constant 16 : i32
        %add3A_411 = vector.broadcast %add3A_410 : i32 to vector<16xi32>
        %add3A_412 = arith.addi %broadcast_in_dim3A_406, %add3A_411 : vector<16xi32>
        %select_n3A_413 = arith.select %lt3A_409, %add3A_412, %broadcast_in_dim3A_406 : vector<16xi1>, vector<16xi32>
        %broadcast_in_dim3A_414 = vector.shape_cast %select_n3A_413 : vector<16xi32> to vector<16x1xi32>
        %gather3A_415 = vector.shape_cast %broadcast_in_dim3A_414 : vector<16x1xi32> to vector<16xi32>
        %gather3A_416 = tpu.dynamic_gather %select_n3A_105[%gather3A_415] in [0] : vector<16xi32>, vector<16xi32> -> vector<16xi32>
        %mul3A_417 = arith.constant 33 : i32
        %mul3A_418 = vector.broadcast %mul3A_417 : i32 to vector<16xi32>
        %mul3A_419 = arith.muli %gather3A_416, %mul3A_418 : vector<16xi32>
        %add3A_420 = arith.addi %mul3A_419, %iota3A : vector<16xi32>
        %gather3A_421 = tpu.vector_load_idx %arg6[%add3A_420] : memref<33825xi32, #tpu.memory_space<vmem>>[vector<16xi32>], vector<16xi32>,
        %add3A_422 = arith.constant 16 : i32
        %add3A_423 = vector.broadcast %add3A_422 : i32 to vector<16xi32>
        %add3A_424 = arith.addi %add3A_420, %add3A_423 : vector<16xi32>
        %gather3A_425 = tpu.vector_load_idx %arg6[%add3A_424] : memref<33825xi32, #tpu.memory_space<vmem>>[vector<16xi32>], vector<16xi32>,
        %bitcast3A_426 = vector.bitcast %gather3A_421 : vector<16xi32> to vector<32xbf16>
        %add3A_427 = arith.addf %add3A_402, %bitcast3A_426 : vector<32xbf16>
        %bitcast3A_428 = vector.bitcast %gather3A_425 : vector<16xi32> to vector<32xbf16>
        %add3A_429 = arith.addf %add3A_404, %bitcast3A_428 : vector<32xbf16>
        %broadcast_in_dim3A_430 = arith.constant 13 : i32
        %broadcast_in_dim3A_431 = vector.broadcast %broadcast_in_dim3A_430 : i32 to vector<16xi32>
        %lt3A_432 = arith.constant 0 : i32
        %lt3A_433 = vector.broadcast %lt3A_432 : i32 to vector<16xi32>
        %lt3A_434 = arith.cmpi slt, %broadcast_in_dim3A_431, %lt3A_433 : vector<16xi32>
        %add3A_435 = arith.constant 16 : i32
        %add3A_436 = vector.broadcast %add3A_435 : i32 to vector<16xi32>
        %add3A_437 = arith.addi %broadcast_in_dim3A_431, %add3A_436 : vector<16xi32>
        %select_n3A_438 = arith.select %lt3A_434, %add3A_437, %broadcast_in_dim3A_431 : vector<16xi1>, vector<16xi32>
        %broadcast_in_dim3A_439 = vector.shape_cast %select_n3A_438 : vector<16xi32> to vector<16x1xi32>
        %gather3A_440 = vector.shape_cast %broadcast_in_dim3A_439 : vector<16x1xi32> to vector<16xi32>
        %gather3A_441 = tpu.dynamic_gather %select_n3A_105[%gather3A_440] in [0] : vector<16xi32>, vector<16xi32> -> vector<16xi32>
        %mul3A_442 = arith.constant 33 : i32
        %mul3A_443 = vector.broadcast %mul3A_442 : i32 to vector<16xi32>
        %mul3A_444 = arith.muli %gather3A_441, %mul3A_443 : vector<16xi32>
        %add3A_445 = arith.addi %mul3A_444, %iota3A : vector<16xi32>
        %gather3A_446 = tpu.vector_load_idx %arg6[%add3A_445] : memref<33825xi32, #tpu.memory_space<vmem>>[vector<16xi32>], vector<16xi32>,
        %add3A_447 = arith.constant 16 : i32
        %add3A_448 = vector.broadcast %add3A_447 : i32 to vector<16xi32>
        %add3A_449 = arith.addi %add3A_445, %add3A_448 : vector<16xi32>
        %gather3A_450 = tpu.vector_load_idx %arg6[%add3A_449] : memref<33825xi32, #tpu.memory_space<vmem>>[vector<16xi32>], vector<16xi32>,
        %bitcast3A_451 = vector.bitcast %gather3A_446 : vector<16xi32> to vector<32xbf16>
        %add3A_452 = arith.addf %add3A_427, %bitcast3A_451 : vector<32xbf16>
        %bitcast3A_453 = vector.bitcast %gather3A_450 : vector<16xi32> to vector<32xbf16>
        %add3A_454 = arith.addf %add3A_429, %bitcast3A_453 : vector<32xbf16>
        %broadcast_in_dim3A_455 = arith.constant 14 : i32
        %broadcast_in_dim3A_456 = vector.broadcast %broadcast_in_dim3A_455 : i32 to vector<16xi32>
        %lt3A_457 = arith.constant 0 : i32
        %lt3A_458 = vector.broadcast %lt3A_457 : i32 to vector<16xi32>
        %lt3A_459 = arith.cmpi slt, %broadcast_in_dim3A_456, %lt3A_458 : vector<16xi32>
        %add3A_460 = arith.constant 16 : i32
        %add3A_461 = vector.broadcast %add3A_460 : i32 to vector<16xi32>
        %add3A_462 = arith.addi %broadcast_in_dim3A_456, %add3A_461 : vector<16xi32>
        %select_n3A_463 = arith.select %lt3A_459, %add3A_462, %broadcast_in_dim3A_456 : vector<16xi1>, vector<16xi32>
        %broadcast_in_dim3A_464 = vector.shape_cast %select_n3A_463 : vector<16xi32> to vector<16x1xi32>
        %gather3A_465 = vector.shape_cast %broadcast_in_dim3A_464 : vector<16x1xi32> to vector<16xi32>
        %gather3A_466 = tpu.dynamic_gather %select_n3A_105[%gather3A_465] in [0] : vector<16xi32>, vector<16xi32> -> vector<16xi32>
        %mul3A_467 = arith.constant 33 : i32
        %mul3A_468 = vector.broadcast %mul3A_467 : i32 to vector<16xi32>
        %mul3A_469 = arith.muli %gather3A_466, %mul3A_468 : vector<16xi32>
        %add3A_470 = arith.addi %mul3A_469, %iota3A : vector<16xi32>
        %gather3A_471 = tpu.vector_load_idx %arg6[%add3A_470] : memref<33825xi32, #tpu.memory_space<vmem>>[vector<16xi32>], vector<16xi32>,
        %add3A_472 = arith.constant 16 : i32
        %add3A_473 = vector.broadcast %add3A_472 : i32 to vector<16xi32>
        %add3A_474 = arith.addi %add3A_470, %add3A_473 : vector<16xi32>
        %gather3A_475 = tpu.vector_load_idx %arg6[%add3A_474] : memref<33825xi32, #tpu.memory_space<vmem>>[vector<16xi32>], vector<16xi32>,
        %bitcast3A_476 = vector.bitcast %gather3A_471 : vector<16xi32> to vector<32xbf16>
        %add3A_477 = arith.addf %add3A_452, %bitcast3A_476 : vector<32xbf16>
        %bitcast3A_478 = vector.bitcast %gather3A_475 : vector<16xi32> to vector<32xbf16>
        %add3A_479 = arith.addf %add3A_454, %bitcast3A_478 : vector<32xbf16>
        %broadcast_in_dim3A_480 = arith.constant 15 : i32
        %broadcast_in_dim3A_481 = vector.broadcast %broadcast_in_dim3A_480 : i32 to vector<16xi32>
        %lt3A_482 = arith.constant 0 : i32
        %lt3A_483 = vector.broadcast %lt3A_482 : i32 to vector<16xi32>
        %lt3A_484 = arith.cmpi slt, %broadcast_in_dim3A_481, %lt3A_483 : vector<16xi32>
        %add3A_485 = arith.constant 16 : i32
        %add3A_486 = vector.broadcast %add3A_485 : i32 to vector<16xi32>
        %add3A_487 = arith.addi %broadcast_in_dim3A_481, %add3A_486 : vector<16xi32>
        %select_n3A_488 = arith.select %lt3A_484, %add3A_487, %broadcast_in_dim3A_481 : vector<16xi1>, vector<16xi32>
        %broadcast_in_dim3A_489 = vector.shape_cast %select_n3A_488 : vector<16xi32> to vector<16x1xi32>
        %gather3A_490 = vector.shape_cast %broadcast_in_dim3A_489 : vector<16x1xi32> to vector<16xi32>
        %gather3A_491 = tpu.dynamic_gather %select_n3A_105[%gather3A_490] in [0] : vector<16xi32>, vector<16xi32> -> vector<16xi32>
        %mul3A_492 = arith.constant 33 : i32
        %mul3A_493 = vector.broadcast %mul3A_492 : i32 to vector<16xi32>
        %mul3A_494 = arith.muli %gather3A_491, %mul3A_493 : vector<16xi32>
        %add3A_495 = arith.addi %mul3A_494, %iota3A : vector<16xi32>
        %gather3A_496 = tpu.vector_load_idx %arg6[%add3A_495] : memref<33825xi32, #tpu.memory_space<vmem>>[vector<16xi32>], vector<16xi32>,
        %add3A_497 = arith.constant 16 : i32
        %add3A_498 = vector.broadcast %add3A_497 : i32 to vector<16xi32>
        %add3A_499 = arith.addi %add3A_495, %add3A_498 : vector<16xi32>
        %gather3A_500 = tpu.vector_load_idx %arg6[%add3A_499] : memref<33825xi32, #tpu.memory_space<vmem>>[vector<16xi32>], vector<16xi32>,
        %bitcast3A_501 = vector.bitcast %gather3A_496 : vector<16xi32> to vector<32xbf16>
        %add3A_502 = arith.addf %add3A_477, %bitcast3A_501 : vector<32xbf16>
        %bitcast3A_503 = vector.bitcast %gather3A_500 : vector<16xi32> to vector<32xbf16>
        %add3A_504 = arith.addf %add3A_479, %bitcast3A_503 : vector<32xbf16>
        %unpack3A = tpu.unpack_subelements %add3A_502, 0 {pack_format = #tpu.pack_format<interleaved>} : vector<32xbf16> -> vector<16xf32>
        %unpack3A_505 = tpu.unpack_subelements %add3A_502, 1 {pack_format = #tpu.pack_format<interleaved>} : vector<32xbf16> -> vector<16xf32>
        %unpack3A_506 = tpu.unpack_subelements %add3A_504, 0 {pack_format = #tpu.pack_format<interleaved>} : vector<32xbf16> -> vector<16xf32>
        %unpack3A_507 = tpu.unpack_subelements %add3A_504, 1 {pack_format = #tpu.pack_format<interleaved>} : vector<32xbf16> -> vector<16xf32>
        %add3A_508 = arith.addf %scan3A_68, %unpack3A : vector<16xf32>
        %add3A_509 = arith.addf %scan3A_69, %unpack3A_505 : vector<16xf32>
        %add3A_510 = arith.addf %scan3A_70, %unpack3A_506 : vector<16xf32>
        %add3A_511 = arith.addf %scan3A_71, %unpack3A_507 : vector<16xf32>
        scf.yield %add3A_508, %add3A_509, %add3A_510, %add3A_511 : vector<16xf32>, vector<16xf32>, vector<16xf32>, vector<16xf32>
      }
      %scan3A_29 = arith.constant 8 : i32
      %mul3A_30 = arith.constant 64 : i32
      %mul3A_31 = arith.muli %scan3A_20, %mul3A_30 : i32
      %add3A_32 = arith.constant 0 : i32
      %add3A_33 = arith.addi %mul3A_31, %add3A_32 : i32
      %mul3A_34 = arith.constant 2 : i32
      %mul3A_35 = vector.broadcast %mul3A_34 : i32 to vector<16xi32>
      %mul3A_36 = arith.muli %mul3A_35, %iota3A : vector<16xi32>
      %add3A_37 = vector.broadcast %add3A_33 : i32 to vector<16xi32>
      %add3A_38 = arith.addi %add3A_37, %mul3A_36 : vector<16xi32>
      tpu.vector_store_idx %arg9[%add3A_38], %scan3A_28#0 : memref<8192xf32, #tpu.memory_space<vmem>>[vector<16xi32>], vector<16xf32>,
      %mul3A_39 = arith.constant 64 : i32
      %mul3A_40 = arith.muli %scan3A_20, %mul3A_39 : i32
      %add3A_41 = arith.constant 1 : i32
      %add3A_42 = arith.addi %mul3A_40, %add3A_41 : i32
      %mul3A_43 = arith.constant 2 : i32
      %mul3A_44 = vector.broadcast %mul3A_43 : i32 to vector<16xi32>
      %mul3A_45 = arith.muli %mul3A_44, %iota3A : vector<16xi32>
      %add3A_46 = vector.broadcast %add3A_42 : i32 to vector<16xi32>
      %add3A_47 = arith.addi %add3A_46, %mul3A_45 : vector<16xi32>
      tpu.vector_store_idx %arg9[%add3A_47], %scan3A_28#1 : memref<8192xf32, #tpu.memory_space<vmem>>[vector<16xi32>], vector<16xf32>,
      %mul3A_48 = arith.constant 64 : i32
      %mul3A_49 = arith.muli %scan3A_20, %mul3A_48 : i32
      %add3A_50 = arith.constant 32 : i32
      %add3A_51 = arith.addi %mul3A_49, %add3A_50 : i32
      %mul3A_52 = arith.constant 2 : i32
      %mul3A_53 = vector.broadcast %mul3A_52 : i32 to vector<16xi32>
      %mul3A_54 = arith.muli %mul3A_53, %iota3A : vector<16xi32>
      %add3A_55 = vector.broadcast %add3A_51 : i32 to vector<16xi32>
      %add3A_56 = arith.addi %add3A_55, %mul3A_54 : vector<16xi32>
      tpu.vector_store_idx %arg9[%add3A_56], %scan3A_28#2 : memref<8192xf32, #tpu.memory_space<vmem>>[vector<16xi32>], vector<16xf32>,
      %mul3A_57 = arith.constant 64 : i32
      %mul3A_58 = arith.muli %scan3A_20, %mul3A_57 : i32
      %add3A_59 = arith.constant 33 : i32
      %add3A_60 = arith.addi %mul3A_58, %add3A_59 : i32
      %mul3A_61 = arith.constant 2 : i32
      %mul3A_62 = vector.broadcast %mul3A_61 : i32 to vector<16xi32>
      %mul3A_63 = arith.muli %mul3A_62, %iota3A : vector<16xi32>
      %add3A_64 = vector.broadcast %add3A_60 : i32 to vector<16xi32>
      %add3A_65 = arith.addi %add3A_64, %mul3A_63 : vector<16xi32>
      tpu.vector_store_idx %arg9[%add3A_65], %scan3A_28#3 : memref<8192xf32, #tpu.memory_space<vmem>>[vector<16xi32>], vector<16xf32>,
      %scan3A_66 = arith.constant 0 : i32
      scf.yield %scan3A_66 : i32
    }
    %scan3A_15 = arith.constant 128 : i32
    %mul3A_16 = arith.constant 128 : i32
    %mul3A_17 = arith.muli %add3A, %mul3A_16 : i32
    %mul3A_18 = arith.constant 64 : i32
    %mul3A_19 = arith.muli %mul3A_17, %mul3A_18 : i32
    "tpu.region"() ({
      %run_scoped3A = tpu.sem_alloc : memref<!tpu.dma_semaphore, #tpu.memory_space<semaphore_mem>>
      %dma_start3A = tpu.memref_slice %arg5[%mul3A_19] : memref<262144xf32, #tpu.memory_space<hbm>> -> memref<8192xf32, #tpu.memory_space<hbm>>
      %dma_start3A_20 = tpu.memref_slice %arg5[%mul3A_19] : memref<262144xf32, #tpu.memory_space<hbm>> -> memref<8192xf32, #tpu.memory_space<hbm>>
      tpu.enqueue_dma source(%arg9 : memref<8192xf32, #tpu.memory_space<vmem>>) target(%dma_start3A_20 : memref<8192xf32, #tpu.memory_space<hbm>>) target_semaphore(%run_scoped3A : memref<!tpu.dma_semaphore, #tpu.memory_space<semaphore_mem>>)
      %dma_wait3A = tpu.memref_slice %arg5[%mul3A_19] : memref<262144xf32, #tpu.memory_space<hbm>> -> memref<8192xf32, #tpu.memory_space<hbm>>
      %dma_wait3A_21 = tpu.memref_slice %arg5[%mul3A_19] : memref<262144xf32, #tpu.memory_space<hbm>> -> memref<8192xf32, #tpu.memory_space<hbm>>
      tpu.wait_dma2 semaphore(%run_scoped3A : memref<!tpu.dma_semaphore, #tpu.memory_space<semaphore_mem>>) src(%arg9 : memref<8192xf32, #tpu.memory_space<vmem>>) dst(%dma_wait3A_21 : memref<8192xf32, #tpu.memory_space<hbm>>)
      tpu.yield
    }) : () -> ()
    return
  }
}

module attributes {stable_mosaic.version = 14 : i64} {
  func.func @_tc_body(%arg0: memref<256x16x16xi32, #tpu.memory_space<vmem>>, %arg1: memref<4096x64xf32, #tpu.memory_space<vmem>>, %arg2: memref<1024x1xi32, #tpu.memory_space<vmem>>, %arg3: memref<64x128xf32, #tpu.memory_space<vmem>>, %arg4: memref<128x256xf32, #tpu.memory_space<vmem>>, %arg5: memref<256x256xf32, #tpu.memory_space<vmem>>, %arg6: memref<256x256xf32, #tpu.memory_space<vmem>>, %arg7: memref<384x256xf32, #tpu.memory_space<vmem>>, %arg8: memref<1024x512xf32, #tpu.memory_space<vmem>>) attributes {dimension_semantics = [], scalar_prefetch = 0 : i64, scratch_operands = 0 : i64, tpu.core_type = #tpu.core_type<tc>} {
    %get3A = arith.constant 0 : index
    %get3A_0 = arith.constant 0 : index
    %get3A_1 = arith.constant 0 : index
    %get3A_2 = vector.load %arg0[%get3A, %get3A_0, %get3A_1] : memref<256x16x16xi32, #tpu.memory_space<vmem>>, vector<256x16x16xi32>
    %gt3A = arith.constant -1 : i32
    %gt3A_3 = vector.broadcast %gt3A : i32 to vector<256x16x16xi32>
    %gt3A_4 = arith.cmpi sgt, %get3A_2, %gt3A_3 : vector<256x16x16xi32>
    %convert_element_type3A = arith.extui %gt3A_4 : vector<256x16x16xi1> to vector<256x16x16xi32>
    %convert_element_type3A_5 = arith.sitofp %convert_element_type3A : vector<256x16x16xi32> to vector<256x16x16xf32>
    %reduce_sum3A = arith.constant dense<0.000000e+00> : vector<256x16xf32>
    %reduce_sum3A_6 = vector.multi_reduction <add>, %convert_element_type3A_5, %reduce_sum3A [2] : vector<256x16x16xf32> to vector<256x16xf32>
    %reduce_sum3A_7 = arith.constant dense<0.000000e+00> : vector<256x16xf32>
    %reduce_sum3A_8 = vector.multi_reduction <add>, %convert_element_type3A_5, %reduce_sum3A_7 [1] : vector<256x16x16xf32> to vector<256x16xf32>
    %max3A = arith.constant 1.000000e+00 : f32
    %max3A_9 = vector.broadcast %max3A : f32 to vector<256x16xf32>
    %max3A_10 = arith.maximumf %reduce_sum3A_6, %max3A_9 : vector<256x16xf32>
    %div3A = arith.constant 1.000000e+00 : f32
    %div3A_11 = vector.broadcast %div3A : f32 to vector<256x16xf32>
    %div3A_12 = arith.divf %div3A_11, %max3A_10 : vector<256x16xf32>
    %broadcast_in_dim3A = vector.shape_cast %div3A_12 : vector<256x16xf32> to vector<256x16x1xf32>
    %get3A_13 = arith.constant 0 : index
    %get3A_14 = arith.constant 0 : index
    %get3A_15 = vector.load %arg1[%get3A_13, %get3A_14] : memref<4096x64xf32, #tpu.memory_space<vmem>>, vector<4096x64xf32>
    %get3A_16 = arith.constant 0 : index
    %get3A_17 = arith.constant 0 : index
    %get3A_18 = vector.load %arg3[%get3A_16, %get3A_17] : memref<64x128xf32, #tpu.memory_space<vmem>>, vector<64x128xf32>
    %dot_general3A = arith.constant dense<0.000000e+00> : vector<4096x128xf32>
    %dot_general3A_19 = tpu.matmul %get3A_15, %get3A_18, %dot_general3A {dimension_numbers = #tpu.dot_dimension_numbers<[1], [0], [0], [1], [0, 0, 1, 1], [], []>, transpose_lhs_hint = false} : vector<4096x64xf32>, vector<64x128xf32>, vector<4096x128xf32> -> vector<4096x128xf32>
    %reshape3A = vector.shape_cast %dot_general3A_19 : vector<4096x128xf32> to vector<256x16x128xf32>
    %mul3A = vector.broadcast %broadcast_in_dim3A : vector<256x16x1xf32> to vector<256x16x128xf32>
    %mul3A_20 = arith.mulf %reshape3A, %mul3A : vector<256x16x128xf32>
    %reshape3A_21 = vector.shape_cast %mul3A_20 : vector<256x16x128xf32> to vector<4096x128xf32>
    %get3A_22 = arith.constant 0 : index
    %get3A_23 = arith.constant 0 : index
    %get3A_24 = vector.load %arg5[%get3A_22, %get3A_23] : memref<256x256xf32, #tpu.memory_space<vmem>>, vector<256x256xf32>
    %get3A_25 = arith.constant 0 : index
    %get3A_26 = arith.constant 0 : index
    %get3A_27 = vector.load %arg4[%get3A_25, %get3A_26] : memref<128x256xf32, #tpu.memory_space<vmem>>, vector<128x256xf32>
    %slice3A = vector.extract_strided_slice %get3A_24 {offsets = [128, 0], sizes = [128, 256], strides = [1, 1]} : vector<256x256xf32> to vector<128x256xf32>
    %add3A = arith.addf %get3A_27, %slice3A : vector<128x256xf32>
    %dot_general3A_28 = arith.constant dense<0.000000e+00> : vector<4096x256xf32>
    %dot_general3A_29 = tpu.matmul %reshape3A_21, %add3A, %dot_general3A_28 {dimension_numbers = #tpu.dot_dimension_numbers<[1], [0], [0], [1], [0, 0, 1, 1], [], []>, transpose_lhs_hint = false} : vector<4096x128xf32>, vector<128x256xf32>, vector<4096x256xf32> -> vector<4096x256xf32>
    %dot_general3A_30 = arith.constant dense<0.000000e+00> : vector<256x16x128xf32>
    %dot_general3A_31 = tpu.matmul %convert_element_type3A_5, %mul3A_20, %dot_general3A_30 {dimension_numbers = #tpu.dot_dimension_numbers<[2], [1], [1], [2], [0, 0, 0, 1, 1, 2], [0], [0]>, transpose_lhs_hint = false} : vector<256x16x16xf32>, vector<256x16x128xf32>, vector<256x16x128xf32> -> vector<256x16x128xf32>
    %mul3A_32 = vector.broadcast %broadcast_in_dim3A : vector<256x16x1xf32> to vector<256x16x128xf32>
    %mul3A_33 = arith.mulf %dot_general3A_31, %mul3A_32 : vector<256x16x128xf32>
    %reshape3A_34 = vector.shape_cast %mul3A_33 : vector<256x16x128xf32> to vector<4096x128xf32>
    %slice3A_35 = vector.extract_strided_slice %get3A_24 {offsets = [0, 0], sizes = [128, 256], strides = [1, 1]} : vector<256x256xf32> to vector<128x256xf32>
    %dot_general3A_36 = arith.constant dense<0.000000e+00> : vector<4096x256xf32>
    %dot_general3A_37 = tpu.matmul %reshape3A_34, %slice3A_35, %dot_general3A_36 {dimension_numbers = #tpu.dot_dimension_numbers<[1], [0], [0], [1], [0, 0, 1, 1], [], []>, transpose_lhs_hint = false} : vector<4096x128xf32>, vector<128x256xf32>, vector<4096x256xf32> -> vector<4096x256xf32>
    %add3A_38 = arith.addf %dot_general3A_29, %dot_general3A_37 : vector<4096x256xf32>
    %max3A_39 = arith.constant 0.000000e+00 : f32
    %max3A_40 = vector.broadcast %max3A_39 : f32 to vector<4096x256xf32>
    %max3A_41 = arith.maximumf %add3A_38, %max3A_40 : vector<4096x256xf32>
    %get3A_42 = arith.constant 0 : index
    %get3A_43 = arith.constant 0 : index
    %get3A_44 = vector.load %arg7[%get3A_42, %get3A_43] : memref<384x256xf32, #tpu.memory_space<vmem>>, vector<384x256xf32>
    %get3A_45 = arith.constant 0 : index
    %get3A_46 = arith.constant 0 : index
    %get3A_47 = vector.load %arg6[%get3A_45, %get3A_46] : memref<256x256xf32, #tpu.memory_space<vmem>>, vector<256x256xf32>
    %dot_general3A_48 = arith.constant dense<0.000000e+00> : vector<4096x256xf32>
    %dot_general3A_49 = tpu.matmul %max3A_41, %get3A_47, %dot_general3A_48 {dimension_numbers = #tpu.dot_dimension_numbers<[1], [0], [0], [1], [0, 0, 1, 1], [], []>, transpose_lhs_hint = false} : vector<4096x256xf32>, vector<256x256xf32>, vector<4096x256xf32> -> vector<4096x256xf32>
    %slice3A_50 = vector.extract_strided_slice %get3A_44 {offsets = [256, 0], sizes = [128, 256], strides = [1, 1]} : vector<384x256xf32> to vector<128x256xf32>
    %dot_general3A_51 = arith.constant dense<0.000000e+00> : vector<4096x256xf32>
    %dot_general3A_52 = tpu.matmul %reshape3A_21, %slice3A_50, %dot_general3A_51 {dimension_numbers = #tpu.dot_dimension_numbers<[1], [0], [0], [1], [0, 0, 1, 1], [], []>, transpose_lhs_hint = false} : vector<4096x128xf32>, vector<128x256xf32>, vector<4096x256xf32> -> vector<4096x256xf32>
    %add3A_53 = arith.addf %dot_general3A_49, %dot_general3A_52 : vector<4096x256xf32>
    %reshape3A_54 = vector.shape_cast %max3A_41 : vector<4096x256xf32> to vector<256x16x256xf32>
    %dot_general3A_55 = arith.constant dense<0.000000e+00> : vector<256x16x256xf32>
    %dot_general3A_56 = tpu.matmul %convert_element_type3A_5, %reshape3A_54, %dot_general3A_55 {dimension_numbers = #tpu.dot_dimension_numbers<[2], [1], [1], [2], [0, 0, 0, 1, 1, 2], [0], [0]>, transpose_lhs_hint = false} : vector<256x16x16xf32>, vector<256x16x256xf32>, vector<256x16x256xf32> -> vector<256x16x256xf32>
    %mul3A_57 = vector.broadcast %broadcast_in_dim3A : vector<256x16x1xf32> to vector<256x16x256xf32>
    %mul3A_58 = arith.mulf %dot_general3A_56, %mul3A_57 : vector<256x16x256xf32>
    %reshape3A_59 = vector.shape_cast %mul3A_58 : vector<256x16x256xf32> to vector<4096x256xf32>
    %slice3A_60 = vector.extract_strided_slice %get3A_44 {offsets = [0, 0], sizes = [256, 256], strides = [1, 1]} : vector<384x256xf32> to vector<256x256xf32>
    %dot_general3A_61 = arith.constant dense<0.000000e+00> : vector<4096x256xf32>
    %dot_general3A_62 = tpu.matmul %reshape3A_59, %slice3A_60, %dot_general3A_61 {dimension_numbers = #tpu.dot_dimension_numbers<[1], [0], [0], [1], [0, 0, 1, 1], [], []>, transpose_lhs_hint = false} : vector<4096x256xf32>, vector<256x256xf32>, vector<4096x256xf32> -> vector<4096x256xf32>
    %add3A_63 = arith.addf %add3A_53, %dot_general3A_62 : vector<4096x256xf32>
    %max3A_64 = arith.constant 0.000000e+00 : f32
    %max3A_65 = vector.broadcast %max3A_64 : f32 to vector<4096x256xf32>
    %max3A_66 = arith.maximumf %add3A_63, %max3A_65 : vector<4096x256xf32>
    %add3A_67 = arith.addf %reduce_sum3A_6, %reduce_sum3A_8 : vector<256x16xf32>
    %gt3A_68 = arith.constant 0.000000e+00 : f32
    %gt3A_69 = vector.broadcast %gt3A_68 : f32 to vector<256x16xf32>
    %gt3A_70 = arith.cmpf ogt, %add3A_67, %gt3A_69 : vector<256x16xf32>
    %convert_element_type3A_71 = arith.extui %gt3A_70 : vector<256x16xi1> to vector<256x16xi32>
    %convert_element_type3A_72 = arith.sitofp %convert_element_type3A_71 : vector<256x16xi32> to vector<256x16xf32>
    %broadcast_in_dim3A_73 = vector.shape_cast %convert_element_type3A_72 : vector<256x16xf32> to vector<256x16x1xf32>
    %reshape3A_74 = vector.shape_cast %max3A_66 : vector<4096x256xf32> to vector<256x16x256xf32>
    %mul3A_75 = vector.broadcast %broadcast_in_dim3A_73 : vector<256x16x1xf32> to vector<256x16x256xf32>
    %mul3A_76 = arith.mulf %reshape3A_74, %mul3A_75 : vector<256x16x256xf32>
    %reduce_sum3A_77 = arith.constant dense<0.000000e+00> : vector<256x256xf32>
    %reduce_sum3A_78 = vector.multi_reduction <add>, %mul3A_76, %reduce_sum3A_77 [1] : vector<256x16x256xf32> to vector<256x256xf32>
    %reduce_sum3A_79 = arith.constant dense<0.000000e+00> : vector<256xf32>
    %reduce_sum3A_80 = vector.multi_reduction <add>, %reduce_sum3A_78, %reduce_sum3A_79 [0] : vector<256x256xf32> to vector<256xf32>
    %broadcast_in_dim3A_81 = vector.shape_cast %reduce_sum3A_80 : vector<256xf32> to vector<1x256xf32>
    %reduce_sum3A_82 = vector.shape_cast %broadcast_in_dim3A_73 : vector<256x16x1xf32> to vector<1x256x16x1xf32>
    %reduce_sum3A_83 = arith.constant dense<0.000000e+00> : vector<1xf32>
    %reduce_sum3A_84 = vector.multi_reduction <add>, %reduce_sum3A_82, %reduce_sum3A_83 [1, 2, 3] : vector<1x256x16x1xf32> to vector<1xf32>
    %reduce_sum3A_85 = vector.shape_cast %reduce_sum3A_84 : vector<1xf32> to vector<1x1x1x1xf32>
    %reduce_sum3A_86 = vector.extract %reduce_sum3A_85[0, 0, 0, 0] : f32 from vector<1x1x1x1xf32>
    %div3A_87 = vector.broadcast %reduce_sum3A_86 : f32 to vector<1x256xf32>
    %div3A_88 = arith.divf %broadcast_in_dim3A_81, %div3A_87 : vector<1x256xf32>
    %get3A_89 = arith.constant 0 : index
    %get3A_90 = arith.constant 0 : index
    %get3A_91 = vector.load %arg2[%get3A_89, %get3A_90] : memref<1024x1xi32, #tpu.memory_space<vmem>>, vector<1024x1xi32>
    %iota3A = tpu.iota {dimensions = array<i32: 1>} : vector<1024x4096xi32>
    %eq3A = vector.broadcast %get3A_91 : vector<1024x1xi32> to vector<1024x4096xi32>
    %eq3A_92 = arith.cmpi eq, %eq3A, %iota3A : vector<1024x4096xi32>
    %convert_element_type3A_93 = arith.extui %eq3A_92 : vector<1024x4096xi1> to vector<1024x4096xi32>
    %convert_element_type3A_94 = arith.sitofp %convert_element_type3A_93 : vector<1024x4096xi32> to vector<1024x4096xf32>
    %dot_general3A_95 = arith.constant dense<0.000000e+00> : vector<1024x256xf32>
    %dot_general3A_96 = tpu.matmul %convert_element_type3A_94, %max3A_66, %dot_general3A_95 {dimension_numbers = #tpu.dot_dimension_numbers<[1], [0], [0], [1], [0, 0, 1, 1], [], []>, transpose_lhs_hint = false} : vector<1024x4096xf32>, vector<4096x256xf32>, vector<1024x256xf32> -> vector<1024x256xf32>
    %broadcast_in_dim3A_97 = vector.shape_cast %div3A_88 : vector<1x256xf32> to vector<1x256xf32>
    %broadcast_in_dim3A_98 = vector.broadcast %broadcast_in_dim3A_97 : vector<1x256xf32> to vector<1024x256xf32>
    %swap3A = arith.constant 0 : index
    %swap3A_99 = arith.constant 0 : index
    %swap3A_100 = vector.load %arg8[%swap3A, %swap3A_99] : memref<1024x512xf32, #tpu.memory_space<vmem>>, vector<1024x256xf32>
    tpu.vector_store %arg8[%swap3A, %swap3A_99], %broadcast_in_dim3A_98 {strides = array<i32>} : memref<1024x512xf32, #tpu.memory_space<vmem>>, vector<1024x256xf32>,
    %swap3A_101 = arith.constant 0 : index
    %swap3A_102 = arith.constant 256 : index
    %swap3A_103 = vector.load %arg8[%swap3A_101, %swap3A_102] : memref<1024x512xf32, #tpu.memory_space<vmem>>, vector<1024x256xf32>
    tpu.vector_store %arg8[%swap3A_101, %swap3A_102], %dot_general3A_96 {strides = array<i32>} : memref<1024x512xf32, #tpu.memory_space<vmem>>, vector<1024x256xf32>,
    return
  }
}

</mosaic_0001>

<sc_bundles>
// kernel: kernel.4.cloned.1.call-start
scs
__scs_entry_jumppad:
0x0: {  	(pc) =	sbr.rel $0x88, $3  }
0x1: {  	(tag) =	ssettag $0x0;
	lr =	simm.s32 $0x1  }
0x2: {  	[smem:$0x3F96] =	sst lr;
	_ =	strace $0xD0000000  }
0x3: {  	_ = 	snop  }
0x4: {  	_ = 	snop  }
0x5: {  	_ = 	snop  }
0x6: {  	_ = 	snop  }
0x7: {  	_ = 	snop  }
__scs_overlays_trampoline_lowered:
0x8: {  	[smem:$0x3FA5] =	sst s0  }
0x9: {  	[smem:$0x3FA6] =	sst s1  }
0xa: {  	[smem:$0x3FA7] =	sst s2  }
0xb: {  	[smem:$0x3FA8] =	sst s3  }
0xc: {  	[smem:$0x3FA9] =	sst s4  }
0xd: {  	[smem:$0x3FAA] =	sst s5  }
0xe: {  	[smem:$0x3FAB] =	sst s6  }
0xf: {  	[smem:$0x3FAC] =	sst s7  }
0x10: {  	[smem:$0x3FAD] =	sst s8  }
0x11: {  	[smem:$0x3FAE] =	sst s9;
	s0 =	simm.s32 @!p0 $0x0  }
0x12: {  	s1 =	sld [smem:$0x3F94];
	s0 =	simm.s32 @p0 $0x1  }
0x13: {  	[smem:$0x3FAF] =	sst s0;
	s0 =	simm.s32 @!p1 $0x0  }
0x14: {  	s2 =	sld [smem:$0x3F93];
	s0 =	simm.s32 @p1 $0x1  }
0x15: {  	[smem:$0x3FB0] =	sst s0;
	s0 =	simm.s32 @!p2 $0x0  }
0x16: {  	s3 =	sld [smem:$0x3FDB];
	s0 =	simm.s32 @p2 $0x1  }
0x17: {  	s4 =	simm.s32 $0x1BF5;
	[smem:$0x3FB2] =	sst s0  }
0x18: {  	s0 =	sld [smem:$0x3F95];
	_ =	swait.ge [sflag:s4], $0x0  }
0x19: {  	s7 =	sld [smem:$0x3F96]  }
0x1a: {  	s8 =	sadd.s32 $0xFFFFE003, lr  }
0x1b: {  	s9 =	sadd.s32 $0xFFFFFEF7, lr;
	s5 =	simm.s32 $0xFFFFFFFF;
	p2 =	slt.u32 s8, $0xFFFFF086  }
0x1c: {  	p1 =	slt.u32 s9, $0xF7A;
	s5 =	simm.s32 @!p2 $0x0  }
0x1d: {  	s5 =	simm.s32 @p1 $0x1;
	p0 =	seq.s32 s7, s2  }
0x1e: {  	s7 =	smul.u32 @!p0 $0xF7A, s2;
	p2 =	seq.s32 @!p0 s5, $0x0  }
0x1f: {  	s9 =	smul.u32 $0xF7A, s1;
	s8 =	simm.s32 @!p0 $0x1BF5;
	p2 =	por !p2, p0  }
0x20: {  	[sflag:s8] =	ssyncset.s32 @!p0 $0xFFFFF086;
	s6 =	sadd.s32 @!p0 s3, s7;
	s7 =	simm.s32 @!p0 $0x108  }
0x21: {  	s3 =	sadd.s32 s3, s9;
	s6 =	sadd.s32 @!p0 $0x88, s6;
	s7 =	simm.s32 @p2 $0x1082  }
0x22: {  	[simem:s7], [sflag:s8] =	dma.local @!p0 [hbm:s6], $0xF7A  }
0x23: {  	s9 =	sor.u32 $0xD0000000, s2;
	s6 =	simm.s32 $0x108;
	_ =	swait.ge @!p0 [sflag:s8], $0x0  }
0x24: {  	s3 =	sadd.s32 $0x88, s3;
	s6 =	simm.s32 @!p1 $0x1082;
	[sflag:s4] =	ssyncset.s32 $0xFFFFF086  }
0x25: {  	[simem:s6], [sflag:s4] =	dma.local [hbm:s3], $0xF7A  }
0x26: {  	[smem:$0x3F96] =	sst s1;
	(tag) =	ssettag s2;
	_ =	strace s9  }
0x27: {  	s1 =	sld [smem:$0x3FA6]  }
0x28: {  	s2 =	sld [smem:$0x3FA7]  }
0x29: {  	s4 =	sld [smem:$0x3FA9]  }
0x2a: {  	p0 =	seq.s32 s5, $0x0;
	s5 =	sld [smem:$0x3FAA]  }
0x2b: {  	s6 =	sld [smem:$0x3FAB]  }
0x2c: {  	s7 =	sld [smem:$0x3FAC]  }
0x2d: {  	s3 =	simm.s32 $0x108;
	s8 =	sld [smem:$0x3FAD]  }
0x2e: {  	s3 =	simm.s32 @!p0 $0x1082;
	s9 =	sld [smem:$0x3FAE]  }
0x2f: {  	lr =	sadd.s32 s0, s3;
	s0 =	sld [smem:$0x3FA5]  }
0x30: {  	s3 =	sld [smem:$0x3FA8]  }
0x31: {  	[smem:$0x3FB1] =	sst s10  }
0x32: {  	s10 =	sld [smem:$0x3FAF];
	_ =	sdelay $0x3  }
0x33: {  	p0 =	seq.s32 s10, $0x1;
	s10 =	sld [smem:$0x3FB1];
	_ =	sdelay $0x3  }
0x34: {  	[smem:$0x3FB1] =	sst s10  }
0x35: {  	s10 =	sld [smem:$0x3FB0];
	_ =	sdelay $0x3  }
0x36: {  	p1 =	seq.s32 s10, $0x1;
	s10 =	sld [smem:$0x3FB1];
	_ =	sdelay $0x3  }
0x37: {  	[smem:$0x3FB1] =	sst s10  }
0x38: {  	s10 =	sld [smem:$0x3FB2]  }
0x39: {  	_ = 	snop;
	(pc) =	sbr.ind lr, $3  }
0x3a: {  	_ = 	snop  }
0x3b: {  	_ = 	snop  }
0x3c: {  	p2 =	seq.s32 s10, $0x1;
	s10 =	sld [smem:$0x3FB1]  }
0x3d: {  	_ =	shalt  }
0x3e: {  	_ =	shalt  }
0x3f: {  	_ =	shalt  }
0x40: {  	_ =	shalt  }
0x41: {  	_ =	shalt  }
0x42: {  	_ =	shalt  }
0x43: {  	_ =	shalt  }
0x44: {  	_ =	shalt  }
0x45: {  	_ =	shalt  }
0x46: {  	_ =	shalt  }
0x47: {  	_ =	shalt  }
0x48: {  	_ =	shalt  }
0x49: {  	_ =	shalt  }
0x4a: {  	_ =	shalt  }
0x4b: {  	_ =	shalt  }
0x4c: {  	_ =	shalt  }
0x4d: {  	_ =	shalt  }
0x4e: {  	_ =	shalt  }
0x4f: {  	_ =	shalt  }
0x50: {  	_ =	shalt  }
0x51: {  	_ =	shalt  }
0x52: {  	_ =	shalt  }
0x53: {  	_ =	shalt  }
0x54: {  	_ =	shalt  }
0x55: {  	_ =	shalt  }
0x56: {  	_ =	shalt  }
0x57: {  	_ =	shalt  }
0x58: {  	_ =	shalt  }
0x59: {  	_ =	shalt  }
0x5a: {  	_ =	shalt  }
0x5b: {  	_ =	shalt  }
0x5c: {  	_ =	shalt  }
0x5d: {  	_ =	shalt  }
0x5e: {  	_ =	shalt  }
0x5f: {  	_ =	shalt  }
0x60: {  	_ =	shalt  }
0x61: {  	_ =	shalt  }
0x62: {  	_ =	shalt  }
0x63: {  	_ =	shalt  }
0x64: {  	_ =	shalt  }
0x65: {  	_ =	shalt  }
0x66: {  	_ =	shalt  }
0x67: {  	_ =	shalt  }
0x68: {  	_ =	shalt  }
0x69: {  	_ =	shalt  }
0x6a: {  	_ =	shalt  }
0x6b: {  	_ =	shalt  }
0x6c: {  	_ =	shalt  }
0x6d: {  	_ =	shalt  }
0x6e: {  	_ =	shalt  }
0x6f: {  	_ =	shalt  }
0x70: {  	_ =	shalt  }
0x71: {  	_ =	shalt  }
0x72: {  	_ =	shalt  }
0x73: {  	_ =	shalt  }
0x74: {  	_ =	shalt  }
0x75: {  	_ =	shalt  }
0x76: {  	_ =	shalt  }
0x77: {  	_ =	shalt  }
0x78: {  	_ =	shalt  }
0x79: {  	_ =	shalt  }
0x7a: {  	_ =	shalt  }
0x7b: {  	_ =	shalt  }
0x7c: {  	_ =	shalt  }
0x7d: {  	_ =	shalt  }
0x7e: {  	_ =	shalt  }
0x7f: {  	_ =	shalt  }
0x80: {  	_ =	shalt  }
0x81: {  	_ =	shalt  }
0x82: {  	_ =	shalt  }
0x83: {  	_ =	shalt  }
0x84: {  	_ =	shalt  }
0x85: {  	_ =	shalt  }
0x86: {  	_ =	shalt  }
0x87: {  	_ =	shalt  }
.Lfunc_end0:
.L_simem_size_0:
called_computation_lowered:
.L_overlay_start_0:
0x88: {  	s2 =	sld [smem:$0x3FD9]  }
0x89: {  	s3 =	sld [smem:$0x3FFE];
	_ =	sdelay $0x1  }
0x8a: {  	s1 =	srdreg.scid  }
0x8b: {  	s0 =	sand.u32 $0x1, s1  }
0x8c: {  	s17 =	sshll.u32 s0, $0xA;
	s2 =	sadd.s32 s3, s2  }
0x8d: {  	s2 =	sadd.s32 s2, s17  }
0x8e: {  	[smem:$0x3FBD] =	sst s2  }
0x8f: {  	_ = 	snop  }
0x90: {  	s2 =	sld [smem:$0x3FD0];
	(tm) =	ssettm $0x1  }
0x91: {  	s18 =	sld [smem:$0x3FFB];
	_ =	sdelay $0x3  }
0x92: {  	_ =	strace s18  }
0x93: {  	s3 =	sld [smem:$0x3FFC];
	_ =	sdelay $0x3  }
0x94: {  	_ =	strace s3  }
0x95: {  	s3 =	sld [smem:$0x3FFD];
	_ =	sdelay $0x3  }
0x96: {  	_ =	strace s3  }
0x97: {  	_ =	strace $0x8FFFFFFF  }
0x98: {  	s19 =	sld [smem:$0x3FDB];
	_ =	sdelay $0x1  }
0x99: {  	s4 =	simm.s32 $_scs_section_size  }
0x9a: {  	s5 =	simm.s32 $_size__tile_overlayer_lowered;
	s6 =	simm.s32 $_tile_overlayer_lowered  }
0x9b: {  	s22 =	simm.s32 $0x1BFF;
	s21 =	sshll.u32 s6, $0x1;
	s3 =	sadd.s32 s4, s19  }
0x9c: {  	s7 =	simm.s32 $0x0;
	s20 =	sshll.u32 s5, $0x1;
	s5 =	sadd.s32 s21, s3  }
0x9d: {  	[timem:s7], [sflag:s22] =	dma.local [hbm:s5], s20  }
0x9e: {  	_ =	swait.ge [sflag:s22], s20  }
0x9f: {  	s4 =	ssub.s32 $0x0, s20;
	[sflag:s22] =	ssyncset.done $0x0  }
0xa0: {  	[sflag:s22] =	ssyncadd.s32 s4;
	_ =	sdelay $0x1  }
0xa1: {  	s23 =	simm.s32 $0x1B8B  }
0xa2: {  	_ =	swait.ge [sflag:s23], $0x1  }
0xa3: {  	[sflag:s23] =	ssyncset.done $0x0  }
0xa4: {  	s25 =	simm.s32 $0x1B8E;
	s24 =	sld [smem:$0x3FFE];
	[sflag:s23] =	ssyncadd.s32 $0xFFFFFFFF  }
0xa5: {  	s26 =	simm.s32 $execute0_lowered;
	[smem:$0x3FD2] =	sst s25  }
0xa6: {  	s5 =	sshll.u32 s26, $0x1;
	_ =	strace $0x80000046;
	[dreg:$0x1] =	wrdreg $0xFFFFFFFF  }
0xa7: {  	s28 =	simm.s32 $_size_execute0_lowered;
	s3 =	sadd.s32 s3, s5;
	[dreg:$0x0] =	wrdreg $0x0  }
0xa8: {  	s5 =	sshll.u32 s28, $0x1;
	[dreg:$0x2] =	wrdreg s3  }
0xa9: {  	[dreg:$0x3] =	wrdreg s5  }
0xaa: {  	[dreg:$0x4] =	wrdreg $0xC0  }
0xab: {  	_ =	task [dreg:s7], $0x5FFFF  }
0xac: {  	[dreg:$0x1] =	wrdreg $0xFFFFFFFF  }
0xad: {  	[dreg:$0x0] =	wrdreg $0x60  }
0xae: {  	[dreg:$0x2] =	wrdreg s24  }
0xaf: {  	[dreg:$0x3] =	wrdreg s2  }
0xb0: {  	[dreg:$0x4] =	wrdreg $0x9  }
0xb1: {  	_ =	task.clear_ibuf [dreg:s7], $0x5FFFF;
	_ =	strace $0x90000046  }
0xb2: {  	s29 =	simm.s32 $0x9;
	_ =	strace $0x80000048  }
0xb3: {  	_ =	swait.ge [sflag:s29], $0x1  }
0xb4: {  	[sflag:s29] =	ssyncadd.s32 $0xFFFFFFFF  }
0xb5: {  	_ =	strace $0x90000048  }
0xb6: {  	_ =	sfence  }
0xb7: {  	s30 =	sld [smem:$0x0];
	_ =	sdelay $0x2  }
0xb8: {  	s31 =	sshll.u32 s1, $0xD;
	s1 =	sshrl.u32 s1, $0x2  }
0xb9: {  	s3 =	sand.u32 $0x4000, s31;
	s1 =	sadd.s32 s1, s30  }
0xba: {  	s0 =	sor.u32 s3, s0;
	s1 =	sshll.u32 s1, $0x11  }
0xbb: {  	s0 =	sor.u32 s1, s0  }
0xbc: {  	s0 =	sadd.s32 $0x8F2B, s0  }
0xbd: {  	[sflag:s0] =	ssyncadd.remote.s32 $0x1  }
0xbe: {  	_ =	sfence.sel $0xFFFF  }
0xbf: {  	[dreg:$0x0] =	wrdreg $0xFFFFFFFF;
	(pc) =	sbr.abs _section_cstart, $3  }
0xc0: {  	[dreg:$0x1] =	wrdreg $0xFFFFFFFF  }
0xc1: {  	_ =	task.clear_ibuf [dreg:s7], $0x2FFFF;
	_ =	strace $0x9FFFFFFF  }
0xc2: {  	(tm) =	ssettm $0x7FFFFFFF  }
0xc3: {  	_ =	shalt  }
tec
execute0_lowered:
.L_overlay_start_1:
0x0: {  	(tag) =	ssettag $0x1  }
0x1: {  	s4 =	rddreg [dreg:$0x0]  }
0x2: {  	s5 =	rddreg [dreg:$0x1]  }
0x3: {  	s0 =	rddreg [dreg:$0x2]  }
0x4: {  	s2 =	simm.s32 $0x0;
	s3 =	srdreg.scid;
	s1 =	stileid.u32;
	v0 =	vlaneseq.u32  }
0x5: {  	vm0 =	vmmov $0xff;
	v2 =	vimm.s32 $0x0;
	v4 =	vimm.bf16 $0.0e+00;
	s11 =	simm.s32 $0x0;
	s6 =	sand.u32 $0x1, s3;
	s7 =	sshll.u32 s1, $0x1  }
0x6: {  	v5 =	vimm.s32 $0x1;
	v6 =	vimm.s32 $0x2;
	v7 =	vimm.s32 $0x3;
	[smem:$0x7FF] =	sst s2;
	s3 =	sadd.s32 $0x11400, s4;
	s7 =	sor.u32 s6, s7  }
0x7: {  	v8 =	vimm.s32 $0x4;
	v9 =	vimm.s32 $0x5;
	v10 =	vimm.s32 $0x6;
	_ =	strace $0x80000047;
	s6 =	ssub.s32 $0x2, s6;
	s8 =	sshll.u32 s7, $0xB  }
0x8: {  	v11 =	vimm.s32 $0x7;
	v12 =	vimm.s32 $0x8;
	v13 =	vimm.s32 $0x9;
	s7 =	sshll.u32 s7, $0xA;
	s31 =	sshrl.u32 s6, $0x1;
	s9 =	sadd.s32 s8, s4  }
0x9: {  	v14 =	vimm.s32 $0xA;
	v15 =	vimm.s32 $0xB;
	v16 =	vimm.s32 $0xC;
	s7 =	sadd.s32 s7, s4;
	s10 =	ssub.s32 s6, s31;
	s4 =	sadd.s32 s5, s8  }
0xa: {  	v17 =	vimm.s32 $0xD;
	v18 =	vimm.s32 $0xE;
	v19 =	vimm.s32 $0xF;
	s8 =	simm.s32 $0x1;
	s5 =	sadd.s32 $0x1400, s9;
	s6 =	sadd.s32 $0x12600, s7  }
0xb: {  	v1 =	vand.u32 $0x7, v0;
	v3 =	vor.u32 $0x10, v0;
	v20 =	vmul.u32 $0x2, v0;
	s7 =	smax.u32 s10, $0x1;
	s9 =	simm.s32 $0xC480;
	s10 =	simm.s32 $0x10480  }
.LBB2_1:
0xc: {  	[tilespmem:s2], [sflag:$0x1] =	stream.linear.gather [hbm4b:s3+s2], $0x8480, $0x38;
	[tilespmem:$0x12480] =	vst v63  }
0xd: {  	_ =	swait.ge [sflag:s8], $0x8480  }
0xe: {  	[sflag:s8] =	ssyncset.done $0x0  }
0xf: {  	s12 =	simm.s32 $0x8480;
	[sflag:s8] =	ssyncadd.s32 $0xFFFF7B80  }
0x10: {  	[tilespmem:s12], [sflag:$0x1] =	stream.linear.gather [hbm4b:s4+s2], $0x4000, $0x38;
	[tilespmem:$0x12480] =	vst v63  }
0x11: {  	_ =	swait.ge [sflag:s8], $0x4000  }
0x12: {  	[sflag:s8] =	ssyncset.done $0x0  }
0x13: {  	[sflag:s8] =	ssyncadd.s32 $0xFFFFC000  }
0x14: {  	[tilespmem:s9], [sflag:$0x1] =	stream.linear.gather [hbm4b:s5+s2], $0x4000, $0x38;
	[tilespmem:$0x12480] =	vst v63  }
0x15: {  	_ =	swait.ge [sflag:s8], $0x4000  }
0x16: {  	[sflag:s8] =	ssyncset.done $0x0  }
0x17: {  	s13 =	simm.s32 $0x0;
	[sflag:s8] =	ssyncadd.s32 $0xFFFFC000  }
.LBB2_2:
0x18: {  	s14 =	sshll.u32 s13, $0x7  }
0x19: {  	v22 =	vld [tilespmem:s14+$0xC480];
	_ =	sdelay $0x2  }
0x1a: {  	s26 =	simm.s32 $0x0;
	s15 =	simm.s32 $0x1  }
0x1b: {  	v23 =	vld [tilespmem:s12+$0x0];
	v21 =	vmov s26;
	v24 =	vmov s15  }
0x1c: {  	v21 =	vperm.xlane v22, v21;
	v24 =	vperm.xlane v22, v24;
	_ =	sdelay $0x1  }
0x1d: {  	v21 =	vsel vm0, v21, v24  }
0x1e: {  	vm1 =	vgt.s32 v21, v1  }
0x1f: {  	v21 =	vnsel vm1, $0x400, v23  }
0x20: {  	v23 =	vperm.xlane v21, v2;
	_ =	sdelay $0x1  }
0x21: {  	v24 =	vperm.xlane v21, v5;
	v23 =	vmul.u32 $0x21, v23;
	_ =	sdelay $0x1  }
0x22: {  	v25 =	vperm.xlane v21, v6;
	v24 =	vmul.u32 $0x21, v24;
	v26 =	vadd.s32 v3, v23  }
0x23: {  	v23 =	vadd.s32 v0, v23  }
0x24: {  	v27 =	vperm.xlane v21, v7;
	v25 =	vmul.u32 $0x21, v25;
	v28 =	vadd.s32 v3, v24  }
0x25: {  	s29 =	sadd.s32 $0x10, s12;
	v24 =	vadd.s32 v0, v24  }
0x26: {  	v47 =	vld [tilespmem:s29+$0x0];
	v29 =	vperm.xlane v21, v8;
	v27 =	vmul.u32 $0x21, v27;
	v30 =	vadd.s32 v3, v25  }
0x27: {  	v31 =	vperm.xlane v21, v9;
	v25 =	vadd.s32 v0, v25;
	v26 =	vld.idx.msk [tilespmem:v26+s2+$0x0], $0xffff  }
0x28: {  	v29 =	vmul.u32 $0x21, v29;
	v32 =	vadd.s32 v3, v27;
	v23 =	vld.idx.msk [tilespmem:v23+s2+$0x0], $0xffff  }
0x29: {  	s28 =	simm.s32 $0x2;
	s30 =	simm.s32 $0x3;
	v33 =	vperm.xlane v21, v10;
	v31 =	vmul.u32 $0x21, v31;
	v27 =	vadd.s32 v0, v27;
	v28 =	vld.idx.msk [tilespmem:v28+s2+$0x0], $0xffff  }
0x2a: {  	v40 =	vmov s28;
	v41 =	vmov s30;
	v34 =	vadd.s32 v3, v29;
	v24 =	vld.idx.msk [tilespmem:v24+s2+$0x0], $0xffff  }
0x2b: {  	v35 =	vperm.xlane v21, v11;
	v33 =	vmul.u32 $0x21, v33;
	v36 =	vadd.s32 v3, v31;
	v30 =	vld.idx.msk [tilespmem:v30+s2+$0x0], $0xffff  }
0x2c: {  	v40 =	vperm.xlane v22, v40;
	v29 =	vadd.s32 v0, v29;
	v25 =	vld.idx.msk [tilespmem:v25+s2+$0x0], $0xffff;
	v26 =	vadd.bf16 v4, v26  }
0x2d: {  	v38 =	vperm.xlane v21, v12;
	v35 =	vmul.u32 $0x21, v35;
	v37 =	vadd.s32 v3, v33;
	v32 =	vld.idx.msk [tilespmem:v32+s2+$0x0], $0xffff  }
0x2e: {  	v31 =	vadd.s32 v0, v31;
	v27 =	vld.idx.msk [tilespmem:v27+s2+$0x0], $0xffff;
	v23 =	vadd.bf16 v4, v23;
	v26 =	vadd.bf16 v28, v26  }
0x2f: {  	v39 =	vperm.xlane v21, v13;
	v38 =	vmul.u32 $0x21, v38;
	v53 =	vadd.s32 v3, v35;
	v34 =	vld.idx.msk [tilespmem:v34+s2+$0x0], $0xffff  }
0x30: {  	v54 =	vld.idx.msk [tilespmem:v36+s2+$0x0], $0xffff;
	v28 =	vadd.s32 v0, v33;
	v23 =	vadd.bf16 v24, v23;
	v26 =	vadd.bf16 v30, v26  }
0x31: {  	v39 =	vmul.u32 $0x21, v39;
	v55 =	vadd.s32 v3, v38;
	v24 =	vld.idx.msk [tilespmem:v29+s2+$0x0], $0xffff;
	v29 =	vadd.s32 v0, v35  }
0x32: {  	v56 =	vld.idx.msk [tilespmem:v37+s2+$0x0], $0xffff;
	v30 =	vperm.xlane v21, v14;
	v23 =	vadd.bf16 v25, v23;
	v26 =	vadd.bf16 v32, v26  }
0x33: {  	v48 =	vperm.xlane v22, v41;
	v57 =	vadd.s32 v3, v39;
	v25 =	vld.idx.msk [tilespmem:v31+s2+$0x0], $0xffff;
	v31 =	vadd.s32 v0, v38  }
0x34: {  	v33 =	vld.idx.msk [tilespmem:v53+s2+$0x0], $0xffff;
	v30 =	vmul.u32 $0x21, v30;
	v23 =	vadd.bf16 v27, v23;
	v26 =	vadd.bf16 v34, v26  }
0x35: {  	v58 =	vperm.xlane v21, v15;
	v60 =	vperm.xlane v21, v16;
	v27 =	vld.idx.msk [tilespmem:v28+s2+$0x0], $0xffff;
	v28 =	vadd.s32 v0, v39  }
0x36: {  	v61 =	vld.idx.msk [tilespmem:v55+s2+$0x0], $0xffff;
	v59 =	vadd.s32 v3, v30;
	v23 =	vadd.bf16 v24, v23;
	v26 =	vadd.bf16 v54, v26  }
0x37: {  	v45 =	vperm.xlane v21, v18;
	v38 =	vmul.u32 $0x21, v58;
	v24 =	vld.idx.msk [tilespmem:v29+s2+$0x0], $0xffff;
	v29 =	vadd.s32 v0, v30  }
0x38: {  	v63 =	vld.idx.msk [tilespmem:v57+s2+$0x0], $0xffff;
	v39 =	vmul.u32 $0x21, v60;
	v23 =	vadd.bf16 v25, v23;
	v26 =	vadd.bf16 v56, v26  }
0x39: {  	v62 =	vadd.s32 v3, v38;
	v30 =	vperm.xlane v21, v17;
	v21 =	vperm.xlane v21, v19;
	v25 =	vld.idx.msk [tilespmem:v31+s2+$0x0], $0xffff  }
0x3a: {  	v44 =	vadd.s32 v3, v39;
	v23 =	vadd.bf16 v27, v23;
	v28 =	vld.idx.msk [tilespmem:v28+s2+$0x0], $0xffff;
	v26 =	vadd.bf16 v33, v26  }
0x3b: {  	v31 =	vadd.s32 v0, v38;
	v30 =	vmul.u32 $0x21, v30;
	v38 =	vmul.u32 $0x21, v45;
	v27 =	vld.idx.msk [tilespmem:v59+s2+$0x0], $0xffff  }
0x3c: {  	v23 =	vadd.bf16 v24, v23;
	v24 =	vld.idx.msk [tilespmem:v29+s2+$0x0], $0xffff;
	v29 =	vadd.s32 v0, v39;
	v26 =	vadd.bf16 v61, v26  }
0x3d: {  	v50 =	vsel vm0, v40, v48;
	v21 =	vmul.u32 $0x21, v21;
	v46 =	vadd.s32 v3, v30  }
0x3e: {  	v36 =	vld.idx.msk [tilespmem:v62+s2+$0x0], $0xffff;
	v49 =	vadd.s32 v3, v38;
	v23 =	vadd.bf16 v25, v23;
	v26 =	vadd.bf16 v63, v26  }
0x3f: {  	vm1 =	vgt.s32 v50, v1;
	v30 =	vadd.s32 v0, v30;
	v52 =	vadd.s32 v3, v21;
	v51 =	vld.idx.msk [tilespmem:v44+s2+$0x0], $0xffff  }
0x40: {  	v31 =	vld.idx.msk [tilespmem:v31+s2+$0x0], $0xffff;
	v23 =	vadd.bf16 v28, v23;
	v25 =	vadd.bf16 v27, v26;
	v26 =	vnsel vm1, $0x400, v47  }
0x41: {  	v54 =	vadd.s32 v0, v38;
	v21 =	vadd.s32 v0, v21;
	v29 =	vld.idx.msk [tilespmem:v29+s2+$0x0], $0xffff;
	v53 =	vperm.xlane v26, v2  }
0x42: {  	v27 =	vld.idx.msk [tilespmem:v46+s2+$0x0], $0xffff;
	v23 =	vadd.bf16 v24, v23;
	v56 =	vperm.xlane v26, v5;
	v24 =	vperm.xlane v26, v6  }
0x43: {  	v55 =	vld.idx.msk [tilespmem:v49+s2+$0x0], $0xffff;
	v59 =	vperm.xlane v26, v7;
	v28 =	vadd.bf16 v36, v25;
	v32 =	vmul.u32 $0x21, v53  }
0x44: {  	v30 =	vld.idx.msk [tilespmem:v30+s2+$0x0], $0xffff;
	v48 =	vperm.xlane v26, v10;
	v49 =	vperm.xlane v26, v11;
	v36 =	vmul.u32 $0x21, v56  }
0x45: {  	v23 =	vadd.bf16 v31, v23;
	v28 =	vadd.bf16 v51, v28;
	v58 =	vadd.s32 v3, v32  }
0x46: {  	v42 =	vperm.xlane v26, v12;
	v31 =	vld.idx.msk [tilespmem:v54+s2+$0x0], $0xffff;
	v24 =	vmul.u32 $0x21, v24;
	v60 =	vadd.s32 v3, v36  }
0x47: {  	v23 =	vadd.bf16 v29, v23;
	v27 =	vadd.bf16 v27, v28;
	v28 =	vadd.s32 v0, v32  }
0x48: {  	v57 =	vld.idx.msk [tilespmem:v52+s2+$0x0], $0xffff;
	v25 =	vimm.f32 $0.0e+00;
	v54 =	vperm.xlane v26, v14;
	v61 =	vadd.s32 v0, v36  }
0x49: {  	v29 =	vld.idx.msk [tilespmem:v21+s2+$0x0], $0xffff;
	v63 =	vadd.s32 v0, v24;
	v32 =	vmul.u32 $0x21, v59;
	v23 =	vadd.bf16 v30, v23  }
0x4a: {  	v40 =	vmul.u32 $0x21, v48;
	v21 =	vperm.xlane v26, v8;
	v62 =	vadd.s32 v3, v24;
	v30 =	vld.idx.msk [tilespmem:v58+s2+$0x0], $0xffff  }
0x4b: {  	v27 =	vadd.bf16 v55, v27;
	v44 =	vadd.s32 v3, v32;
	v23 =	vadd.bf16 v31, v23;
	v31 =	vld.idx.msk [tilespmem:v60+s2+$0x0], $0xffff  }
0x4c: {  	v24 =	vperm.xlane v26, v9;
	v43 =	vadd.s32 v3, v40;
	v45 =	vmul.u32 $0x21, v21;
	v46 =	vld.idx.msk [tilespmem:v28+s2+$0x0], $0xffff  }
0x4d: {  	v42 =	vmul.u32 $0x21, v42;
	v32 =	vadd.s32 v0, v32;
	v27 =	vadd.bf16 v57, v27;
	v34 =	vld.idx.msk [tilespmem:v61+s2+$0x0], $0xffff  }
0x4e: {  	v47 =	vadd.s32 v3, v45;
	v38 =	vadd.s32 v0, v45;
	v35 =	vld.idx.msk [tilespmem:v63+s2+$0x0], $0xffff;
	v28 =	vmul.u32 $0x21, v24  }
0x4f: {  	v24 =	vadd.bf16 v29, v23;
	v29 =	vld.idx.msk [tilespmem:v62+s2+$0x0], $0xffff;
	v21 =	vunpack.i.u.bf16.f32 v27;
	v23 =	vunpack.i.l.bf16.f32 v27  }
0x50: {  	v27 =	vadd.s32 v3, v28;
	v37 =	vld.idx.msk [tilespmem:v44+s2+$0x0], $0xffff;
	v44 =	vperm.xlane v26, v13;
	v30 =	vadd.bf16 v4, v30  }
0x51: {  	v36 =	vmul.u32 $0x21, v49;
	v56 =	vld.idx.msk [tilespmem:v43+s2+$0x0], $0xffff;
	v50 =	vadd.s32 v0, v28;
	v39 =	vadd.bf16 v4, v46  }
0x52: {  	v51 =	vadd.s32 v0, v40;
	v32 =	vld.idx.msk [tilespmem:v32+s2+$0x0], $0xffff;
	v55 =	vmul.u32 $0x21, v44;
	v30 =	vadd.bf16 v31, v30  }
0x53: {  	v53 =	vadd.s32 v3, v42;
	v52 =	vadd.s32 v3, v36;
	v31 =	vld.idx.msk [tilespmem:v47+s2+$0x0], $0xffff;
	v34 =	vadd.bf16 v34, v39  }
0x54: {  	v58 =	vperm.xlane v26, v15;
	v38 =	vld.idx.msk [tilespmem:v38+s2+$0x0], $0xffff;
	v60 =	vadd.s32 v3, v55;
	v29 =	vadd.bf16 v29, v30  }
0x55: {  	v57 =	vadd.s32 v0, v42;
	v27 =	vld.idx.msk [tilespmem:v27+s2+$0x0], $0xffff;
	v30 =	vadd.s32 v0, v36;
	v34 =	vadd.bf16 v35, v34  }
0x56: {  	v42 =	vmul.u32 $0x21, v58;
	v21 =	vadd.f32 v21, v25;
	v45 =	vld.idx.msk [tilespmem:v50+s2+$0x0], $0xffff;
	v29 =	vadd.bf16 v37, v29  }
0x57: {  	v59 =	vld.idx.msk [tilespmem:v51+s2+$0x0], $0xffff;
	v62 =	vadd.s32 v0, v55;
	v39 =	vmul.u32 $0x21, v54;
	v34 =	vadd.bf16 v32, v34  }
0x58: {  	v61 =	vld.idx.msk [tilespmem:v52+s2+$0x0], $0xffff;
	v28 =	vunpack.i.u.bf16.f32 v24;
	v47 =	vperm.xlane v26, v16;
	v29 =	vadd.bf16 v31, v29  }
0x59: {  	v41 =	vadd.s32 v3, v42;
	v46 =	vadd.s32 v3, v39;
	v35 =	vld.idx.msk [tilespmem:v60+s2+$0x0], $0xffff;
	v38 =	vadd.bf16 v38, v34  }
0x5a: {  	s31 =	simm.s32 $0x4;
	v37 =	vmul.u32 $0x21, v47;
	v32 =	vld.idx.msk [tilespmem:v30+s2+$0x0], $0xffff;
	v27 =	vadd.bf16 v27, v29;
	v29 =	vperm.xlane v26, v17  }
0x5b: {  	v47 =	vmov s31;
	v34 =	vld.idx.msk [tilespmem:v53+s2+$0x0], $0xffff;
	v30 =	vadd.s32 v0, v39;
	v63 =	vadd.bf16 v45, v38  }
0x5c: {  	v33 =	vld.idx.msk [tilespmem:v62+s2+$0x0], $0xffff;
	v27 =	vadd.bf16 v56, v27;
	v39 =	vmul.u32 $0x21, v29;
	v29 =	vperm.xlane v26, v18  }
0x5d: {  	v31 =	vld.idx.msk [tilespmem:v57+s2+$0x0], $0xffff;
	v38 =	vadd.s32 v0, v42;
	v42 =	vadd.s32 v3, v37;
	v40 =	vadd.bf16 v59, v63  }
0x5e: {  	s14 =	sadd.s32 $0x10, s29;
	v36 =	vld.idx.msk [tilespmem:v46+s2+$0x0], $0xffff;
	v45 =	vadd.bf16 v61, v27;
	v44 =	vadd.s32 v3, v39;
	v43 =	vmul.u32 $0x21, v29  }
0x5f: {  	s16 =	simm.s32 $0x5;
	s15 =	simm.s32 $0x6;
	v46 =	vld [tilespmem:s14+$0x0];
	v29 =	vperm.xlane v26, v19;
	v26 =	vimm.f32 $0.0e+00;
	v27 =	vimm.f32 $0.0e+00  }
.LBB2_3:
0x60: {  	p0 =	sne.s32 s15, $0xE;
	v47 =	vperm.xlane v22, v47;
	v48 =	vmov s16;
	v34 =	vadd.bf16 v34, v45;
	v41 =	vld.idx.msk [tilespmem:v41+s2+$0x0], $0xffff  }
0x61: {  	v45 =	vperm.xlane v22, v48;
	v30 =	vld.idx.msk [tilespmem:v30+s2+$0x0], $0xffff;
	v48 =	vadd.s32 v3, v43;
	v49 =	vmul.u32 $0x21, v29  }
0x62: {  	v29 =	vadd.bf16 v32, v40;
	v32 =	vadd.bf16 v35, v34;
	v34 =	vadd.s32 v0, v37;
	v35 =	vld.idx.msk [tilespmem:v42+s2+$0x0], $0xffff  }
0x63: {  	v39 =	vadd.s32 v0, v39;
	v37 =	vsel vm0, v47, v45;
	v38 =	vld.idx.msk [tilespmem:v38+s2+$0x0], $0xffff;
	v40 =	vadd.s32 v3, v49  }
0x64: {  	v31 =	vadd.bf16 v31, v29;
	vm1 =	vgt.s32 v37, v1;
	v32 =	vadd.bf16 v36, v32;
	v36 =	vld.idx.msk [tilespmem:v44+s2+$0x0], $0xffff  }
0x65: {  	v42 =	vadd.s32 v0, v49;
	v37 =	vadd.s32 v0, v43;
	v29 =	vnsel vm1, $0x400, v46  }
0x66: {  	v31 =	vadd.bf16 v33, v31;
	v43 =	vperm.xlane v29, v2;
	v32 =	vadd.bf16 v41, v32;
	v33 =	vld.idx.msk [tilespmem:v48+s2+$0x0], $0xffff  }
0x67: {  	v24 =	vunpack.i.l.bf16.f32 v24;
	v25 =	vadd.f32 v28, v25;
	v26 =	vadd.f32 v23, v26;
	v34 =	vld.idx.msk [tilespmem:v34+s2+$0x0], $0xffff  }
0x68: {  	v28 =	vperm.xlane v29, v5;
	v23 =	vmul.u32 $0x21, v43;
	v32 =	vadd.bf16 v35, v32;
	v35 =	vld.idx.msk [tilespmem:v40+s2+$0x0], $0xffff  }
0x69: {  	v27 =	vadd.f32 v24, v27;
	v30 =	vadd.bf16 v30, v31;
	v40 =	vperm.xlane v29, v6;
	v31 =	vld.idx.msk [tilespmem:v39+s2+$0x0], $0xffff  }
0x6a: {  	v28 =	vmul.u32 $0x21, v28;
	v24 =	vadd.s32 v3, v23;
	v32 =	vadd.bf16 v36, v32;
	v36 =	vld.idx.msk [tilespmem:v37+s2+$0x0], $0xffff  }
0x6b: {  	v30 =	vadd.bf16 v38, v30;
	v23 =	vadd.s32 v0, v23;
	v37 =	vperm.xlane v29, v7;
	v38 =	vld.idx.msk [tilespmem:v42+s2+$0x0], $0xffff  }
0x6c: {  	v39 =	vadd.s32 v3, v28;
	v40 =	vmul.u32 $0x21, v40;
	v32 =	vadd.bf16 v33, v32  }
0x6d: {  	v28 =	vadd.s32 v0, v28;
	v33 =	vperm.xlane v29, v8;
	v30 =	vadd.bf16 v34, v30  }
0x6e: {  	v34 =	vadd.s32 v3, v40;
	v37 =	vmul.u32 $0x21, v37;
	v32 =	vadd.bf16 v35, v32  }
0x6f: {  	v40 =	vadd.s32 v0, v40;
	v30 =	vadd.bf16 v31, v30;
	v35 =	vld.idx.msk [tilespmem:v24+s2+$0x0], $0xffff;
	v24 =	vperm.xlane v29, v9  }
0x70: {  	v41 =	vadd.s32 v3, v37;
	v31 =	vld.idx.msk [tilespmem:v23+s2+$0x0], $0xffff;
	v23 =	vmul.u32 $0x21, v33;
	v33 =	vunpack.i.u.bf16.f32 v32  }
0x71: {  	v37 =	vadd.s32 v0, v37;
	v30 =	vadd.bf16 v36, v30;
	v39 =	vld.idx.msk [tilespmem:v39+s2+$0x0], $0xffff;
	v21 =	vadd.f32 v33, v21  }
0x72: {  	v42 =	vperm.xlane v29, v10;
	v33 =	vld.idx.msk [tilespmem:v28+s2+$0x0], $0xffff;
	v36 =	vadd.s32 v3, v23;
	v28 =	vmul.u32 $0x21, v24  }
0x73: {  	v43 =	vadd.s32 v0, v23;
	v24 =	vadd.bf16 v38, v30;
	v23 =	vunpack.i.l.bf16.f32 v32;
	v34 =	vld.idx.msk [tilespmem:v34+s2+$0x0], $0xffff  }
0x74: {  	v38 =	vmul.u32 $0x21, v42;
	v30 =	vld.idx.msk [tilespmem:v40+s2+$0x0], $0xffff;
	v32 =	vadd.s32 v3, v28;
	v40 =	vperm.xlane v29, v11  }
0x75: {  	v35 =	vadd.bf16 v4, v35;
	v42 =	vadd.s32 v0, v28;
	v28 =	vunpack.i.u.bf16.f32 v24;
	v41 =	vld.idx.msk [tilespmem:v41+s2+$0x0], $0xffff  }
0x76: {  	v45 =	vperm.xlane v29, v12;
	v44 =	vadd.s32 v3, v38;
	v37 =	vld.idx.msk [tilespmem:v37+s2+$0x0], $0xffff;
	v40 =	vmul.u32 $0x21, v40  }
0x77: {  	v38 =	vadd.s32 v0, v38;
	v31 =	vadd.bf16 v4, v31;
	v35 =	vadd.bf16 v39, v35;
	v36 =	vld.idx.msk [tilespmem:v36+s2+$0x0], $0xffff  }
0x78: {  	v46 =	vperm.xlane v29, v13;
	v45 =	vmul.u32 $0x21, v45;
	v39 =	vld.idx.msk [tilespmem:v43+s2+$0x0], $0xffff;
	v43 =	vadd.s32 v3, v40  }
0x79: {  	v31 =	vadd.bf16 v33, v31;
	v33 =	vadd.bf16 v34, v35;
	v34 =	vld.idx.msk [tilespmem:v32+s2+$0x0], $0xffff;
	v32 =	vadd.s32 v0, v40  }
0x7a: {  	v40 =	vadd.s32 v3, v45;
	v35 =	vld.idx.msk [tilespmem:v42+s2+$0x0], $0xffff;
	v42 =	vmul.u32 $0x21, v46;
	v46 =	vperm.xlane v29, v14  }
0x7b: {  	v30 =	vadd.bf16 v30, v31;
	v31 =	vadd.bf16 v41, v33;
	v41 =	vadd.s32 v0, v45;
	v33 =	vld.idx.msk [tilespmem:v44+s2+$0x0], $0xffff  }
0x7c: {  	v44 =	vld.idx.msk [tilespmem:v38+s2+$0x0], $0xffff;
	v38 =	vadd.s32 v3, v42;
	v45 =	vmul.u32 $0x21, v46;
	v46 =	vperm.xlane v29, v15  }
0x7d: {  	v30 =	vadd.bf16 v37, v30;
	v31 =	vadd.bf16 v36, v31;
	v42 =	vadd.s32 v0, v42;
	v36 =	vld.idx.msk [tilespmem:v43+s2+$0x0], $0xffff  }
0x7e: {  	v37 =	vperm.xlane v29, v16;
	v32 =	vld.idx.msk [tilespmem:v32+s2+$0x0], $0xffff;
	v43 =	vadd.s32 v3, v45;
	v46 =	vmul.u32 $0x21, v46  }
0x7f: {  	v39 =	vadd.bf16 v39, v30;
	v47 =	vadd.bf16 v34, v31;
	v30 =	vadd.s32 v0, v45;
	v34 =	vld.idx.msk [tilespmem:v40+s2+$0x0], $0xffff  }
.Ltmp0:
0x80: {  	v37 =	vmul.u32 $0x21, v37;
	v40 =	vperm.xlane v29, v17;
	v31 =	vld.idx.msk [tilespmem:v41+s2+$0x0], $0xffff;
	v41 =	vadd.s32 v3, v46;
	(pc) =	sbr.rel @p0 .LBB2_3-.Ltmp0, $4  }
0x81: {  	v45 =	vadd.bf16 v35, v39;
	v48 =	vadd.bf16 v33, v47;
	v35 =	vld.idx.msk [tilespmem:v38+s2+$0x0], $0xffff;
	v38 =	vadd.s32 v0, v46  }
0x82: {  	v49 =	vperm.xlane v29, v18;
	v39 =	vmul.u32 $0x21, v40;
	v33 =	vld.idx.msk [tilespmem:v42+s2+$0x0], $0xffff;
	v42 =	vadd.s32 v3, v37  }
0x83: {  	s14 =	sadd.s32 $0x10, s14;
	v47 =	vmov s15;
	v40 =	vadd.bf16 v44, v45;
	v45 =	vadd.bf16 v36, v48;
	v36 =	vld.idx.msk [tilespmem:v43+s2+$0x0], $0xffff  }
0x84: {  	s16 =	sadd.s32 $0x1, s15;
	v29 =	vperm.xlane v29, v19;
	s15 =	sadd.s32 $0x2, s15;
	v44 =	vadd.s32 v3, v39;
	v43 =	vmul.u32 $0x21, v49;
	v46 =	vld [tilespmem:s14+$0x0]  }
0x85: {  	v48 =	vmov s16  }
0x86: {  	v47 =	vperm.xlane v22, v47;
	v22 =	vperm.xlane v22, v48;
	_ =	sdelay $0x1  }
0x87: {  	v22 =	vsel vm0, v47, v22  }
0x88: {  	v41 =	vld.idx.msk [tilespmem:v41+s2+$0x0], $0xffff;
	v37 =	vadd.s32 v0, v37;
	vm1 =	vgt.s32 v22, v1  }
0x89: {  	v42 =	vld.idx.msk [tilespmem:v42+s2+$0x0], $0xffff;
	v39 =	vadd.s32 v0, v39;
	v46 =	vnsel vm1, $0x400, v46  }
0x8a: {  	v38 =	vld.idx.msk [tilespmem:v38+s2+$0x0], $0xffff;
	v29 =	vmul.u32 $0x21, v29;
	v61 =	vadd.s32 v0, v43;
	v22 =	vperm.xlane v46, v2  }
0x8b: {  	v60 =	vadd.s32 v3, v43;
	v48 =	vld.idx.msk [tilespmem:v30+s2+$0x0], $0xffff  }
0x8c: {  	v30 =	vld.idx.msk [tilespmem:v44+s2+$0x0], $0xffff;
	v49 =	vadd.s32 v3, v29;
	v50 =	vperm.xlane v46, v5;
	v62 =	vmul.u32 $0x21, v22  }
0x8d: {  	v32 =	vadd.bf16 v32, v40;
	v51 =	vadd.s32 v0, v29;
	v37 =	vld.idx.msk [tilespmem:v37+s2+$0x0], $0xffff  }
0x8e: {  	v39 =	vld.idx.msk [tilespmem:v39+s2+$0x0], $0xffff;
	v63 =	vperm.xlane v46, v6;
	v50 =	vmul.u32 $0x21, v50;
	v52 =	vadd.s32 v0, v62  }
0x8f: {  	v34 =	vadd.bf16 v34, v45;
	v31 =	vadd.bf16 v31, v32;
	v32 =	vld.idx.msk [tilespmem:v61+s2+$0x0], $0xffff;
	v54 =	vadd.s32 v3, v62  }
0x90: {  	v55 =	vperm.xlane v46, v7;
	v22 =	vld.idx.msk [tilespmem:v60+s2+$0x0], $0xffff;
	v56 =	vmul.u32 $0x21, v63;
	v57 =	vadd.s32 v0, v50  }
0x91: {  	v34 =	vadd.bf16 v35, v34;
	v29 =	vld.idx.msk [tilespmem:v49+s2+$0x0], $0xffff;
	v58 =	vadd.s32 v3, v50  }
0x92: {  	v59 =	vperm.xlane v46, v8;
	v43 =	vld.idx.msk [tilespmem:v51+s2+$0x0], $0xffff;
	v44 =	vmul.u32 $0x21, v55;
	v60 =	vadd.s32 v0, v56  }
0x93: {  	v34 =	vadd.bf16 v36, v34;
	v31 =	vadd.bf16 v33, v31;
	v61 =	vadd.s32 v3, v56;
	v36 =	vld.idx.msk [tilespmem:v52+s2+$0x0], $0xffff  }
0x94: {  	v49 =	vmul.u32 $0x21, v59;
	v62 =	vperm.xlane v46, v9;
	v51 =	vadd.s32 v0, v44;
	v40 =	vld.idx.msk [tilespmem:v54+s2+$0x0], $0xffff  }
0x95: {  	v34 =	vadd.bf16 v41, v34;
	v55 =	vperm.xlane v46, v10;
	v41 =	vadd.s32 v3, v44;
	v63 =	vld.idx.msk [tilespmem:v57+s2+$0x0], $0xffff  }
0x96: {  	v25 =	vadd.f32 v28, v25;
	v56 =	vld.idx.msk [tilespmem:v58+s2+$0x0], $0xffff;
	v57 =	vmul.u32 $0x21, v62;
	v58 =	vadd.s32 v0, v49  }
0x97: {  	v31 =	vadd.bf16 v48, v31;
	v59 =	vadd.s32 v3, v49;
	v47 =	vmul.u32 $0x21, v55;
	v60 =	vld.idx.msk [tilespmem:v60+s2+$0x0], $0xffff  }
0x98: {  	v33 =	vld.idx.msk [tilespmem:v61+s2+$0x0], $0xffff;
	v61 =	vperm.xlane v46, v11;
	v62 =	vadd.s32 v0, v57;
	v36 =	vadd.bf16 v4, v36  }
0x99: {  	v53 =	vperm.xlane v46, v12;
	v51 =	vld.idx.msk [tilespmem:v51+s2+$0x0], $0xffff;
	v35 =	vadd.s32 v3, v57;
	v40 =	vadd.bf16 v4, v40  }
0x9a: {  	v41 =	vld.idx.msk [tilespmem:v41+s2+$0x0], $0xffff;
	v50 =	vmul.u32 $0x21, v61;
	v36 =	vadd.bf16 v63, v36;
	v63 =	vadd.s32 v0, v47  }
0x9b: {  	v57 =	vperm.xlane v46, v13;
	v47 =	vadd.s32 v3, v47;
	v28 =	vadd.bf16 v56, v40;
	v40 =	vld.idx.msk [tilespmem:v58+s2+$0x0], $0xffff  }
0x9c: {  	v48 =	vld.idx.msk [tilespmem:v59+s2+$0x0], $0xffff;
	v56 =	vmul.u32 $0x21, v53;
	v58 =	vadd.s32 v0, v50;
	v36 =	vadd.bf16 v60, v36  }
0x9d: {  	v50 =	vadd.s32 v3, v50;
	v59 =	vld.idx.msk [tilespmem:v62+s2+$0x0], $0xffff;
	v53 =	vmul.u32 $0x21, v57;
	v28 =	vadd.bf16 v33, v28  }
0x9e: {  	v35 =	vld.idx.msk [tilespmem:v35+s2+$0x0], $0xffff;
	v60 =	vperm.xlane v46, v14;
	v61 =	vadd.s32 v0, v56;
	v36 =	vadd.bf16 v51, v36  }
0x9f: {  	v45 =	vadd.s32 v3, v56;
	v56 =	vadd.s32 v0, v53;
	v28 =	vadd.bf16 v41, v28;
	v41 =	vld.idx.msk [tilespmem:v63+s2+$0x0], $0xffff  }
0xa0: {  	v62 =	vmul.u32 $0x21, v60;
	v47 =	vld.idx.msk [tilespmem:v47+s2+$0x0], $0xffff;
	v63 =	vperm.xlane v46, v15;
	v36 =	vadd.bf16 v40, v36  }
0xa1: {  	v53 =	vadd.s32 v3, v53;
	v57 =	vld.idx.msk [tilespmem:v58+s2+$0x0], $0xffff;
	v58 =	vperm.xlane v46, v16;
	v28 =	vadd.bf16 v48, v28  }
0xa2: {  	v50 =	vld.idx.msk [tilespmem:v50+s2+$0x0], $0xffff;
	v52 =	vmul.u32 $0x21, v63;
	v33 =	vadd.bf16 v59, v36;
	v59 =	vadd.s32 v0, v62  }
0xa3: {  	v44 =	vadd.s32 v3, v62;
	v60 =	vld.idx.msk [tilespmem:v61+s2+$0x0], $0xffff;
	v49 =	vmul.u32 $0x21, v58;
	v61 =	vperm.xlane v46, v17  }
0xa4: {  	v45 =	vld.idx.msk [tilespmem:v45+s2+$0x0], $0xffff;
	v28 =	vadd.bf16 v35, v28;
	v62 =	vadd.s32 v0, v52;
	v33 =	vadd.bf16 v41, v33  }
0xa5: {  	v40 =	vld.idx.msk [tilespmem:v56+s2+$0x0], $0xffff;
	v63 =	vperm.xlane v46, v18;
	v52 =	vadd.s32 v3, v52;
	v51 =	vmul.u32 $0x21, v61  }
0xa6: {  	v53 =	vld.idx.msk [tilespmem:v53+s2+$0x0], $0xffff;
	v54 =	vadd.s32 v0, v49;
	v28 =	vadd.bf16 v47, v28;
	v33 =	vadd.bf16 v57, v33  }
0xa7: {  	v46 =	vperm.xlane v46, v19;
	v49 =	vadd.s32 v3, v49;
	v47 =	vmul.u32 $0x21, v63;
	v36 =	vld.idx.msk [tilespmem:v59+s2+$0x0], $0xffff  }
0xa8: {  	v44 =	vld.idx.msk [tilespmem:v44+s2+$0x0], $0xffff;
	v55 =	vadd.s32 v0, v51;
	v28 =	vadd.bf16 v50, v28;
	v33 =	vadd.bf16 v60, v33  }
0xa9: {  	v23 =	vadd.f32 v23, v26;
	v46 =	vmul.u32 $0x21, v46;
	v56 =	vadd.s32 v3, v51;
	v41 =	vld.idx.msk [tilespmem:v62+s2+$0x0], $0xffff  }
0xaa: {  	v58 =	vadd.s32 v0, v47;
	v28 =	vadd.bf16 v45, v28;
	v57 =	vld.idx.msk [tilespmem:v52+s2+$0x0], $0xffff;
	v33 =	vadd.bf16 v40, v33  }
0xab: {  	v31 =	vadd.bf16 v38, v31;
	v34 =	vadd.bf16 v42, v34;
	v59 =	vadd.s32 v3, v47;
	v60 =	vld.idx.msk [tilespmem:v54+s2+$0x0], $0xffff  }
0xac: {  	v61 =	vld.idx.msk [tilespmem:v49+s2+$0x0], $0xffff;
	v62 =	vadd.s32 v0, v46;
	v28 =	vadd.bf16 v53, v28;
	v33 =	vadd.bf16 v36, v33  }
0xad: {  	v31 =	vadd.bf16 v37, v31;
	v30 =	vadd.bf16 v30, v34;
	v63 =	vld.idx.msk [tilespmem:v55+s2+$0x0], $0xffff  }
0xae: {  	v46 =	vadd.s32 v3, v46;
	v49 =	vld.idx.msk [tilespmem:v56+s2+$0x0], $0xffff;
	v28 =	vadd.bf16 v44, v28;
	v33 =	vadd.bf16 v41, v33  }
0xaf: {  	v31 =	vadd.bf16 v39, v31;
	v22 =	vadd.bf16 v22, v30;
	v51 =	vld.idx.msk [tilespmem:v58+s2+$0x0], $0xffff  }
0xb0: {  	v52 =	vld.idx.msk [tilespmem:v59+s2+$0x0], $0xffff;
	v28 =	vadd.bf16 v57, v28;
	v33 =	vadd.bf16 v60, v33  }
0xb1: {  	v22 =	vadd.bf16 v29, v22;
	v50 =	vadd.bf16 v32, v31;
	v54 =	vld.idx.msk [tilespmem:v62+s2+$0x0], $0xffff  }
0xb2: {  	v24 =	vunpack.i.l.bf16.f32 v24;
	v28 =	vadd.bf16 v61, v28;
	v33 =	vadd.bf16 v63, v33  }
0xb3: {  	v24 =	vadd.f32 v24, v27;
	v53 =	vadd.bf16 v43, v50;
	v55 =	vunpack.i.u.bf16.f32 v22;
	v56 =	vld.idx.msk [tilespmem:v46+s2+$0x0], $0xffff  }
0xb4: {  	s14 =	sshll.u32 s13, $0x6;
	v22 =	vunpack.i.l.bf16.f32 v22;
	v28 =	vadd.bf16 v49, v28;
	v31 =	vadd.bf16 v51, v33  }
0xb5: {  	v58 =	vor.u32 s14, v20;
	v22 =	vadd.f32 v22, v23;
	v29 =	vunpack.i.l.bf16.f32 v53  }
0xb6: {  	s15 =	sor.u32 $0x1, s14;
	v57 =	vunpack.i.u.bf16.f32 v53;
	v28 =	vadd.bf16 v52, v28;
	v30 =	vadd.bf16 v54, v31  }
0xb7: {  	s31 =	sor.u32 $0x20, s14;
	v59 =	vor.u32 s15, v20;
	v23 =	vadd.f32 v29, v24;
	v25 =	vadd.f32 v57, v25  }
0xb8: {  	s13 =	sadd.s32 $0x1, s13;
	s14 =	sor.u32 $0x21, s14;
	v61 =	vor.u32 s31, v20;
	v27 =	vadd.bf16 v56, v28;
	v60 =	vunpack.i.l.bf16.f32 v30  }
0xb9: {  	p0 =	sne.s32 s13, $0x80;
	v62 =	vor.u32 s14, v20;
	v30 =	vunpack.i.u.bf16.f32 v30;
	v23 =	vadd.f32 v60, v23  }
.Ltmp1:
0xba: {  	v21 =	vadd.f32 v55, v21;
	v63 =	vunpack.i.l.bf16.f32 v27;
	v25 =	vadd.f32 v30, v25;
	(pc) =	sbr.rel @p0 .LBB2_2-.Ltmp1, $4  }
0xbb: {  	v27 =	vunpack.i.u.bf16.f32 v27;
	v22 =	vadd.f32 v63, v22;
	[tilespmem:v58+s10+$0x0] =	vst.idx.msk $0xffff, v23  }
0xbc: {  	v21 =	vadd.f32 v27, v21;
	[tilespmem:v59+s10+$0x0] =	vst.idx.msk $0xffff, v25  }
0xbd: {  	[tilespmem:v61+s10+$0x0] =	vst.idx.msk $0xffff, v22  }
0xbe: {  	s12 =	sadd.s32 $0x80, s12;
	[tilespmem:v62+s10+$0x0] =	vst.idx.msk $0xffff, v21  }
0xbf: {  	s11 =	sadd.s32 $0x1, s11  }
0xc0: {  	p0 =	sne.s32 s11, s7  }
.Ltmp2:
0xc1: {  	_ = 	snop;
	(pc) =	sbr.rel @p0 .LBB2_1-.Ltmp2, $4  }
0xc2: {  	[hbm4b:s6+s2] =	stream.linear.scatter [tilespmem:s10], [sflag:$0x1], $0x2000, $0x38;
	[tilespmem:$0x12480] =	vst v63  }
0xc3: {  	_ =	swait.ge [sflag:s8], $0x2000  }
0xc4: {  	[sflag:s8] =	ssyncset.done $0x0  }
0xc5: {  	[sflag:s8] =	ssyncadd.s32 $0xFFFFE000  }
0xc6: {  	_ =	sfence.sel $0x180000  }
0xc7: {  	[bflag:$0x0] =	sbarrier.arrive $0xFFFF  }
0xc8: {  	p0 =	sne.s32 s1, $0x0;
	_ =	strace $0x90000047  }
0xc9: {  	s0 =	sadd.s32 @!p0 $0x100000, s0;
	[bflag:$0x2] =	sbarrier.arrive $0xFFFF  }
0xca: {  	[sflag:s0] =	ssyncadd.tile.s32 @!p0 $0x1;
	_ =	shalt  }
.Lfunc_end2:
_tile_overlayer_lowered:
.L_overlay_start_2:
0xcb: {  	(tag) =	ssettag $0x2  }
0xcc: {  	s0 =	rddreg [dreg:$0x0];
	s2 =	stileid.u32  }
0xcd: {  	s1 =	rddreg [dreg:$0x1];
	p0 =	sne.s32 s2, $0x0  }
0xce: {  	s3 =	rddreg [dreg:$0x2];
	[bflag:$0x3] =	sbarrier.arrive $0xFFFF;
	s2 =	simm.s32 @!p0 $0x1C01  }
0xcf: {  	[timem:s3], [sflag:s2] =	dma.local @!p0 [hbm:s0], s1  }
0xd0: {  	s0 =	simm.s32 @!p0 $0x1  }
0xd1: {  	_ =	swait.ge @!p0 [sflag:s0], s1  }
0xd2: {  	s1 =	ssub.s32 @!p0 $0x0, s1;
	[sflag:s0] =	ssyncset.done @!p0 $0x0  }
0xd3: {  	[sflag:s0] =	ssyncadd.s32 @!p0 s1  }
0xd4: {  	[bflag:$0x3] =	sbarrier.arrive $0xFFFF  }
0xd5: {  	_ =	shalt  }

</sc_bundles>
